<compile_context>
chip_gen: v7x
topology: tpu7x:2x2x1
jax: 0.10.2.dev20260603
libtpu: 0.0.44.dev20260713+nightly
codegen_flags: <defaults>
</compile_context>

<pallas_src>
import jax
import jax.numpy as jnp
from jax import lax
from jax.experimental import pallas as pl
from jax.experimental.pallas import tpu as pltpu
from jax.experimental.pallas import tpu_sc as plsc

TOP_K = 2

_NC = 2
_NS = 16
_NW = _NC * _NS
_CB = 16
_NBUF = 2


def _sc_route_body(x_hbm, idx2_hbm, idx3_hbm, probsT_hbm, zer_hbm, ones_hbm,
                   xg_hbm, wout_hbm, fan_hbm,
                   idx_v, idx3_v, rows_v, pv, wv, ones_v, shared,
                   gsem0, gsem1, ssem0, ssem1):
    cid = lax.axis_index("c")
    sid = lax.axis_index("s")
    wid = cid * _NS + sid
    bpw = idx_v.shape[0]
    base = wid * bpw

    pltpu.sync_copy(idx2_hbm.at[wid], idx_v)
    pltpu.sync_copy(idx3_hbm.at[wid], idx3_v)
    pltpu.sync_copy(ones_hbm, ones_v)
    e = (wid * bpw) // (idx2_hbm.shape[0] * bpw // probsT_hbm.shape[0])
    pltpu.sync_copy(probsT_hbm.at[e], pv)
    for j in range(bpw // 16):
        iv = idx_v[pl.ds(j * 16, 16)]
        wv[pl.ds(j * 16, 16)] = plsc.load_gather(pv, [iv])
    pltpu.sync_copy(wv, wout_hbm.at[pl.ds(base, bpw)])

    @pl.when(sid == 0)
    def _():
        pltpu.sync_copy(zer_hbm, shared)

    plsc.subcore_barrier()
    for j in range(idx3_v.shape[0]):
        pltpu.sync_copy(ones_v, shared.at[idx3_v.at[j]], add=True)
    plsc.subcore_barrier()
    fb = shared.shape[0] // _NS
    pltpu.sync_copy(shared.at[pl.ds(sid * fb, fb)],
                    fan_hbm.at[cid, pl.ds(sid * fb, fb)])

    gsems = (gsem0, gsem1)
    ssems = (ssem0, ssem1)

    @pl.loop(0, bpw // _CB, step=_NBUF)
    def _chunks(c):
        gh = []
        for b in range(_NBUF):
            iv = idx_v.at[pl.ds((c + b) * _CB, _CB)]
            gh.append(pltpu.async_copy(x_hbm.at[iv], rows_v.at[b], gsems[b]))
        sh = []
        for b in range(_NBUF):
            gh[b].wait()
            dst = xg_hbm.at[pl.ds(base + (c + b) * _CB, _CB)]
            sh.append(pltpu.async_copy(rows_v.at[b], dst, ssems[b]))
        for b in range(_NBUF):
            sh[b].wait()


def _sc_route(x_flat, idx_flat, probsT):
    n_tokens, d = x_flat.shape
    nsel = idx_flat.shape[0]
    bpw = nsel // _NW
    mesh = plsc.VectorSubcoreMesh(core_axis_name="c", subcore_axis_name="s")
    kfn = pl.kernel(
        _sc_route_body,
        out_type=(
            jax.ShapeDtypeStruct((nsel, d), jnp.float32),
            jax.ShapeDtypeStruct((nsel,), jnp.float32),
            jax.ShapeDtypeStruct((_NC, n_tokens), jnp.float32),
        ),
        mesh=mesh,
        compiler_params=pltpu.CompilerParams(needs_layout_passes=False),
        scratch_types=[
            pltpu.VMEM((bpw,), jnp.int32),
            pltpu.VMEM((bpw // 128, 128), jnp.int32),
            pltpu.VMEM((_NBUF, _CB, d), jnp.float32),
            pltpu.VMEM((n_tokens,), jnp.float32),
            pltpu.VMEM((bpw,), jnp.float32),
            pltpu.VMEM((128,), jnp.float32),
            pltpu.VMEM_SHARED((n_tokens,), jnp.float32),
            pltpu.SemaphoreType.DMA,
            pltpu.SemaphoreType.DMA,
            pltpu.SemaphoreType.DMA,
            pltpu.SemaphoreType.DMA,
        ],
    )
    idx2 = idx_flat.reshape(_NW, bpw)
    idx3 = idx_flat.reshape(_NW, bpw // 128, 128)
    zer = jnp.zeros((n_tokens,), jnp.float32)
    ones = jnp.ones((128,), jnp.float32)
    return kfn(x_flat, idx2, idx3, probsT, zer, ones)


def _p1_body(xg_ref, w1_ref, h1_ref):
    w1 = w1_ref[0].astype(jnp.bfloat16)
    nsub = 4
    ks = xg_ref.shape[1] // nsub
    for i in range(nsub):
        x = xg_ref[0, i * ks:(i + 1) * ks, :].astype(jnp.bfloat16)
        h = lax.dot_general(x, w1, (((1,), (1,)), ((), ())),
                            preferred_element_type=jnp.float32)
        h1_ref[0, pl.ds(i * ks, ks), :] = (
            jnp.square(jnp.maximum(h, 0.0)).astype(jnp.bfloat16))


def _p2_body(a_ref, w2_ref, out_ref):
    kk = pl.program_id(1)
    w2 = w2_ref[0].astype(jnp.bfloat16)
    nsub = 8
    for i in range(nsub):
        sub = a_ref[0, i * (a_ref.shape[1] // nsub):(i + 1) * (a_ref.shape[1] // nsub), :]
        p = lax.dot_general(sub, w2, (((1,), (1,)), ((), ())),
                            preferred_element_type=jnp.float32)
        sl = pl.ds(i * (a_ref.shape[1] // nsub), a_ref.shape[1] // nsub)

        @pl.when(kk == 0)
        def _():
            out_ref[0, sl, :] = p

        @pl.when(kk > 0)
        def _():
            out_ref[0, sl, :] = out_ref[0, sl, :] + p


def _mlp(xg, W1, W2, *, bj=1024, bkk=1024):
    e, k, d = xg.shape
    f = W1.shape[1]
    h1 = pl.pallas_call(
        _p1_body,
        grid=(e, f // bj),
        in_specs=[
            pl.BlockSpec((1, k, d), lambda e_, jb: (e_, 0, 0)),
            pl.BlockSpec((1, bj, d), lambda e_, jb: (e_, jb, 0)),
        ],
        out_specs=pl.BlockSpec((1, k, bj), lambda e_, jb: (e_, 0, jb)),
        out_shape=jax.ShapeDtypeStruct((e, k, f), jnp.bfloat16),
        compiler_params=pltpu.CompilerParams(
            dimension_semantics=("parallel", "arbitrary"),
            vmem_limit_bytes=66060288,
        ),
    )(xg, W1)
    out = pl.pallas_call(
        _p2_body,
        grid=(e, f // bkk),
        in_specs=[
            pl.BlockSpec((1, k, bkk), lambda e_, kk: (e_, 0, kk)),
            pl.BlockSpec((1, d, bkk), lambda e_, kk: (e_, 0, kk)),
        ],
        out_specs=pl.BlockSpec((1, k, d), lambda e_, kk: (e_, 0, 0)),
        out_shape=jax.ShapeDtypeStruct((e, k, d), jnp.float32),
        compiler_params=pltpu.CompilerParams(
            dimension_semantics=("parallel", "arbitrary"),
            vmem_limit_bytes=66060288,
        ),
    )(h1, W2)
    return out


def kernel(x, W_router, W1, W2):
    bsz, seqlen, hidden = x.shape
    n_tokens = bsz * seqlen
    n_experts = W_router.shape[0]
    x_flat = x.reshape(-1, hidden)
    k = (n_tokens * TOP_K) // n_experts

    router_logits = jnp.einsum('bsh,eh->bse', x, W_router).astype(jnp.float32)
    logits_flat = router_logits.reshape(-1, n_experts)
    all_weights = jax.nn.softmax(logits_flat, axis=-1)
    topk_vals, topk_idx = lax.top_k(logits_flat.T, k)
    cutoffs = topk_vals[:, -1]
    indices_flat = topk_idx.reshape(-1)

    probsT = all_weights.T + jnp.zeros((n_experts, n_tokens), jnp.float32)
    xg, weights_flat, fan2 = _sc_route(x_flat, indices_flat, probsT)
    fanout = fan2.sum(axis=0)

    h = _mlp(xg.reshape(n_experts, k, hidden), W1, W2)
    h_flat = h.reshape(-1, hidden)
    return h_flat, indices_flat, weights_flat, fanout, cutoffs

# --- scband reference (transcript-rebuilt; emitter-appended) ---
"""Pipeline reference for scband-expert-engine-3126736191876 (READ-ONLY COPY).

The authoritative reference and input builder live on the scoring server;
editing this copy changes nothing except your own understanding.
"""

import jax, jax.numpy as jnp
import numpy as np

E = 8
TOP_K = 2
D_MODEL = 2048
EXPERT_DIM = 4096
BSZ, SEQ = 4, 2048


def setup_inputs(seed: int = 0) -> dict:
    key = jax.random.key(seed)
    ks = jax.random.split(key, 4)
    x = jax.random.normal(ks[0], (BSZ, SEQ, D_MODEL), dtype=jnp.float32)
    W_router = jax.random.normal(ks[1], (E, D_MODEL), dtype=jnp.float32) * (D_MODEL ** -0.5)
    W1 = jax.random.normal(ks[2], (E, EXPERT_DIM, D_MODEL), dtype=jnp.float32) * (D_MODEL ** -0.5)
    W2 = jax.random.normal(ks[3], (E, D_MODEL, EXPERT_DIM), dtype=jnp.float32) * (EXPERT_DIM ** -0.5)
    return {"x": x, "W_router": W_router, "W1": W1, "W2": W2}


def reference(x, W_router, W1, W2):
    bsz, seqlen, hidden = x.shape
    n_tokens = bsz * seqlen
    x_flat = x.reshape(-1, hidden)
    # Router: nn.Linear(n_embd, n_experts, bias=False), logits in float32
    router_logits = jnp.einsum('bsh,eh->bse', x, W_router).astype(jnp.float32)
    logits_flat = router_logits.reshape(-1, E)
    # apply_router_activation -> softmax over experts
    all_weights = jax.nn.softmax(logits_flat, axis=-1)
    # topk policy, expert-choice routing (chunked path with n_chunks=1):
    # each expert selects top-k tokens; k = n_tokens * top_k / E (capacity target)
    k = (n_tokens * TOP_K) // E
    topk_vals, topk_idx = jax.lax.top_k(logits_flat.T, k)  # [E, k]
    cutoffs = topk_vals[:, -1]
    indices_batched = topk_idx  # [E, k] token indices per expert
    # weights_batched = gather(all_weights.T, indices_batched)
    weights_batched = jnp.take_along_axis(all_weights.T, indices_batched, axis=1)
    indices_flat = indices_batched.reshape(-1)
    weights_flat = weights_batched.reshape(-1)
    fanout = jnp.bincount(indices_flat, length=n_tokens).astype(jnp.float32)
    # Batched expert MLP (no bias, ReLU^2): bmm -> relu^2 -> bmm
    x_batched = jnp.take(x_flat, indices_batched, axis=0)  # [E, k, hidden]
    h = jnp.einsum('ekh,edh->ekd', x_batched, W1)  # W1: [E, expert_dim, hidden]
    h = jnp.square(jax.nn.relu(h))
    h = jnp.einsum('ekd,ehd->ekh', h, W2)  # W2: [E, hidden, expert_dim]
    h_flat = h.reshape(-1, hidden)  # pre-scatter routed outputs
    return h_flat, indices_flat, weights_flat, fanout, cutoffs

if __name__ == "__main__":
    import jax
    _d = setup_inputs()
    print(jax.jit(kernel)(*tuple(_d.values())))

</pallas_src>

<mosaic_0001>
#map = affine_map<(d0, d1) -> (0, 0)>
#map1 = affine_map<(d0, d1) -> (0, 0, 0)>
#map2 = affine_map<(d0, d1) -> (0)>
module attributes {stable_mosaic.version = 14 : i64} {
  func.func @_sc_route_body(%arg0: i32, %arg1: i32, %arg2: memref<8192x2048xf32, #tpu.memory_space<hbm>>, %arg3: memref<32x512xi32, #tpu.memory_space<hbm>>, %arg4: memref<32x4x128xi32, #tpu.memory_space<hbm>>, %arg5: memref<8x8192xf32, #tpu.memory_space<hbm>>, %arg6: memref<8192xf32, #tpu.memory_space<hbm>>, %arg7: memref<128xf32, #tpu.memory_space<hbm>>, %arg8: memref<16384x2048xf32, #tpu.memory_space<hbm>>, %arg9: memref<16384xf32, #tpu.memory_space<hbm>>, %arg10: memref<2x8192xf32, #tpu.memory_space<hbm>>, %arg11: memref<512xi32, #tpu.memory_space<vmem>>, %arg12: memref<4x128xi32, #tpu.memory_space<vmem>>, %arg13: memref<2x16x2048xf32, #tpu.memory_space<vmem>>, %arg14: memref<8192xf32, #tpu.memory_space<vmem>>, %arg15: memref<512xf32, #tpu.memory_space<vmem>>, %arg16: memref<128xf32, #tpu.memory_space<vmem>>, %arg17: memref<8192xf32, #tpu.memory_space<vmem_shared>>, %arg18: memref<!tpu.dma_semaphore, #tpu.memory_space<semaphore_mem>>, %arg19: memref<!tpu.dma_semaphore, #tpu.memory_space<semaphore_mem>>, %arg20: memref<!tpu.dma_semaphore, #tpu.memory_space<semaphore_mem>>, %arg21: memref<!tpu.dma_semaphore, #tpu.memory_space<semaphore_mem>>) attributes {dimension_semantics = [#tpu.dimension_semantics<core_parallel>, #tpu.dimension_semantics<subcore_parallel>], iteration_bounds = array<i64: 2, 16>, scalar_prefetch = 0 : i64, scratch_operands = 11 : i64, tpu.core_type = #tpu.core_type<sc_vector_subcore>, window_params = [{transform_indices = #map}, {transform_indices = #map}, {transform_indices = #map1}, {transform_indices = #map}, {transform_indices = #map2}, {transform_indices = #map2}, {transform_indices = #map}, {transform_indices = #map2}, {transform_indices = #map}]} {
    %mul3A = arith.constant 16 : i32
    %mul3A_0 = arith.muli %arg0, %mul3A : i32
    %add3A = arith.addi %mul3A_0, %arg1 : i32
    %mul3A_1 = arith.constant 512 : i32
    %mul3A_2 = arith.muli %add3A, %mul3A_1 : i32
    "tpu.region"() ({
      %run_scoped3A_192 = tpu.sem_alloc : memref<!tpu.dma_semaphore, #tpu.memory_space<semaphore_mem>>
      %dma_start3A = arith.constant 0 : i32
      %dma_start3A_193 = tpu.memref_slice %arg3[%add3A, %dma_start3A] : memref<32x512xi32, #tpu.memory_space<hbm>> -> memref<1x512xi32, #tpu.memory_space<hbm>>
      %dma_start3A_194 = tpu.memref_squeeze %dma_start3A_193 : memref<1x512xi32, #tpu.memory_space<hbm>> -> memref<512xi32, #tpu.memory_space<hbm>>
      %dma_start3A_195 = arith.constant 0 : i32
      %dma_start3A_196 = tpu.memref_slice %arg3[%add3A, %dma_start3A_195] : memref<32x512xi32, #tpu.memory_space<hbm>> -> memref<1x512xi32, #tpu.memory_space<hbm>>
      %dma_start3A_197 = tpu.memref_squeeze %dma_start3A_196 : memref<1x512xi32, #tpu.memory_space<hbm>> -> memref<512xi32, #tpu.memory_space<hbm>>
      tpu.enqueue_dma source(%dma_start3A_197 : memref<512xi32, #tpu.memory_space<hbm>>) target(%arg11 : memref<512xi32, #tpu.memory_space<vmem>>) target_semaphore(%run_scoped3A_192 : memref<!tpu.dma_semaphore, #tpu.memory_space<semaphore_mem>>)
      %dma_wait3A = arith.constant 0 : i32
      %dma_wait3A_198 = tpu.memref_slice %arg3[%add3A, %dma_wait3A] : memref<32x512xi32, #tpu.memory_space<hbm>> -> memref<1x512xi32, #tpu.memory_space<hbm>>
      %dma_wait3A_199 = tpu.memref_squeeze %dma_wait3A_198 : memref<1x512xi32, #tpu.memory_space<hbm>> -> memref<512xi32, #tpu.memory_space<hbm>>
      %dma_wait3A_200 = arith.constant 0 : i32
      %dma_wait3A_201 = tpu.memref_slice %arg3[%add3A, %dma_wait3A_200] : memref<32x512xi32, #tpu.memory_space<hbm>> -> memref<1x512xi32, #tpu.memory_space<hbm>>
      %dma_wait3A_202 = tpu.memref_squeeze %dma_wait3A_201 : memref<1x512xi32, #tpu.memory_space<hbm>> -> memref<512xi32, #tpu.memory_space<hbm>>
      tpu.wait_dma2 semaphore(%run_scoped3A_192 : memref<!tpu.dma_semaphore, #tpu.memory_space<semaphore_mem>>) src(%dma_wait3A_202 : memref<512xi32, #tpu.memory_space<hbm>>) dst(%arg11 : memref<512xi32, #tpu.memory_space<vmem>>)
      tpu.yield
    }) : () -> ()
    "tpu.region"() ({
      %run_scoped3A_192 = tpu.sem_alloc : memref<!tpu.dma_semaphore, #tpu.memory_space<semaphore_mem>>
      %dma_start3A = arith.constant 0 : i32
      %dma_start3A_193 = arith.constant 0 : i32
      %dma_start3A_194 = tpu.memref_slice %arg4[%add3A, %dma_start3A, %dma_start3A_193] : memref<32x4x128xi32, #tpu.memory_space<hbm>> -> memref<1x4x128xi32, #tpu.memory_space<hbm>>
      %dma_start3A_195 = tpu.memref_squeeze %dma_start3A_194 : memref<1x4x128xi32, #tpu.memory_space<hbm>> -> memref<4x128xi32, #tpu.memory_space<hbm>>
      %dma_start3A_196 = arith.constant 0 : i32
      %dma_start3A_197 = arith.constant 0 : i32
      %dma_start3A_198 = tpu.memref_slice %arg4[%add3A, %dma_start3A_196, %dma_start3A_197] : memref<32x4x128xi32, #tpu.memory_space<hbm>> -> memref<1x4x128xi32, #tpu.memory_space<hbm>>
      %dma_start3A_199 = tpu.memref_squeeze %dma_start3A_198 : memref<1x4x128xi32, #tpu.memory_space<hbm>> -> memref<4x128xi32, #tpu.memory_space<hbm>>
      tpu.enqueue_dma source(%dma_start3A_199 : memref<4x128xi32, #tpu.memory_space<hbm>>) target(%arg12 : memref<4x128xi32, #tpu.memory_space<vmem>>) target_semaphore(%run_scoped3A_192 : memref<!tpu.dma_semaphore, #tpu.memory_space<semaphore_mem>>)
      %dma_wait3A = arith.constant 0 : i32
      %dma_wait3A_200 = arith.constant 0 : i32
      %dma_wait3A_201 = tpu.memref_slice %arg4[%add3A, %dma_wait3A, %dma_wait3A_200] : memref<32x4x128xi32, #tpu.memory_space<hbm>> -> memref<1x4x128xi32, #tpu.memory_space<hbm>>
      %dma_wait3A_202 = tpu.memref_squeeze %dma_wait3A_201 : memref<1x4x128xi32, #tpu.memory_space<hbm>> -> memref<4x128xi32, #tpu.memory_space<hbm>>
      %dma_wait3A_203 = arith.constant 0 : i32
      %dma_wait3A_204 = arith.constant 0 : i32
      %dma_wait3A_205 = tpu.memref_slice %arg4[%add3A, %dma_wait3A_203, %dma_wait3A_204] : memref<32x4x128xi32, #tpu.memory_space<hbm>> -> memref<1x4x128xi32, #tpu.memory_space<hbm>>
      %dma_wait3A_206 = tpu.memref_squeeze %dma_wait3A_205 : memref<1x4x128xi32, #tpu.memory_space<hbm>> -> memref<4x128xi32, #tpu.memory_space<hbm>>
      tpu.wait_dma2 semaphore(%run_scoped3A_192 : memref<!tpu.dma_semaphore, #tpu.memory_space<semaphore_mem>>) src(%dma_wait3A_206 : memref<4x128xi32, #tpu.memory_space<hbm>>) dst(%arg12 : memref<4x128xi32, #tpu.memory_space<vmem>>)
      tpu.yield
    }) : () -> ()
    "tpu.region"() ({
      %run_scoped3A_192 = tpu.sem_alloc : memref<!tpu.dma_semaphore, #tpu.memory_space<semaphore_mem>>
      tpu.enqueue_dma source(%arg7 : memref<128xf32, #tpu.memory_space<hbm>>) target(%arg16 : memref<128xf32, #tpu.memory_space<vmem>>) target_semaphore(%run_scoped3A_192 : memref<!tpu.dma_semaphore, #tpu.memory_space<semaphore_mem>>)
      tpu.wait_dma2 semaphore(%run_scoped3A_192 : memref<!tpu.dma_semaphore, #tpu.memory_space<semaphore_mem>>) src(%arg7 : memref<128xf32, #tpu.memory_space<hbm>>) dst(%arg16 : memref<128xf32, #tpu.memory_space<vmem>>)
      tpu.yield
    }) : () -> ()
    %mul3A_3 = arith.constant 512 : i32
    %mul3A_4 = arith.muli %add3A, %mul3A_3 : i32
    %jit3A = arith.constant 2048 : i32
    %div3A = arith.divsi %mul3A_4, %jit3A : i32
    %sign3A = arith.constant 0 : i32
    %sign3A_5 = arith.cmpi sgt, %mul3A_4, %sign3A : i32
    %sign3A_6 = arith.extui %sign3A_5 : i1 to i32
    %sign3A_7 = arith.constant 0 : i32
    %sign3A_8 = arith.cmpi slt, %mul3A_4, %sign3A_7 : i32
    %sign3A_9 = arith.extui %sign3A_8 : i1 to i32
    %sign3A_10 = arith.subi %sign3A_6, %sign3A_9 : i32
    %sign3A_11 = arith.constant 0 : i32
    %sign3A_12 = arith.cmpi sgt, %jit3A, %sign3A_11 : i32
    %sign3A_13 = arith.extui %sign3A_12 : i1 to i32
    %sign3A_14 = arith.constant 0 : i32
    %sign3A_15 = arith.cmpi slt, %jit3A, %sign3A_14 : i32
    %sign3A_16 = arith.extui %sign3A_15 : i1 to i32
    %sign3A_17 = arith.subi %sign3A_13, %sign3A_16 : i32
    %ne3A = arith.cmpi ne, %sign3A_10, %sign3A_17 : i32
    %rem3A = arith.remsi %mul3A_4, %jit3A : i32
    %ne3A_18 = arith.constant 0 : i32
    %ne3A_19 = arith.cmpi ne, %rem3A, %ne3A_18 : i32
    %and3A = arith.andi %ne3A, %ne3A_19 : i1
    %sub3A = arith.constant 1 : i32
    %sub3A_20 = arith.subi %div3A, %sub3A : i32
    %select_n3A = arith.select %and3A, %sub3A_20, %div3A : i32
    "tpu.region"() ({
      %run_scoped3A_192 = tpu.sem_alloc : memref<!tpu.dma_semaphore, #tpu.memory_space<semaphore_mem>>
      %dma_start3A = arith.constant 0 : i32
      %dma_start3A_193 = tpu.memref_slice %arg5[%select_n3A, %dma_start3A] : memref<8x8192xf32, #tpu.memory_space<hbm>> -> memref<1x8192xf32, #tpu.memory_space<hbm>>
      %dma_start3A_194 = tpu.memref_squeeze %dma_start3A_193 : memref<1x8192xf32, #tpu.memory_space<hbm>> -> memref<8192xf32, #tpu.memory_space<hbm>>
      %dma_start3A_195 = arith.constant 0 : i32
      %dma_start3A_196 = tpu.memref_slice %arg5[%select_n3A, %dma_start3A_195] : memref<8x8192xf32, #tpu.memory_space<hbm>> -> memref<1x8192xf32, #tpu.memory_space<hbm>>
      %dma_start3A_197 = tpu.memref_squeeze %dma_start3A_196 : memref<1x8192xf32, #tpu.memory_space<hbm>> -> memref<8192xf32, #tpu.memory_space<hbm>>
      tpu.enqueue_dma source(%dma_start3A_197 : memref<8192xf32, #tpu.memory_space<hbm>>) target(%arg14 : memref<8192xf32, #tpu.memory_space<vmem>>) target_semaphore(%run_scoped3A_192 : memref<!tpu.dma_semaphore, #tpu.memory_space<semaphore_mem>>)
      %dma_wait3A = arith.constant 0 : i32
      %dma_wait3A_198 = tpu.memref_slice %arg5[%select_n3A, %dma_wait3A] : memref<8x8192xf32, #tpu.memory_space<hbm>> -> memref<1x8192xf32, #tpu.memory_space<hbm>>
      %dma_wait3A_199 = tpu.memref_squeeze %dma_wait3A_198 : memref<1x8192xf32, #tpu.memory_space<hbm>> -> memref<8192xf32, #tpu.memory_space<hbm>>
      %dma_wait3A_200 = arith.constant 0 : i32
      %dma_wait3A_201 = tpu.memref_slice %arg5[%select_n3A, %dma_wait3A_200] : memref<8x8192xf32, #tpu.memory_space<hbm>> -> memref<1x8192xf32, #tpu.memory_space<hbm>>
      %dma_wait3A_202 = tpu.memref_squeeze %dma_wait3A_201 : memref<1x8192xf32, #tpu.memory_space<hbm>> -> memref<8192xf32, #tpu.memory_space<hbm>>
      tpu.wait_dma2 semaphore(%run_scoped3A_192 : memref<!tpu.dma_semaphore, #tpu.memory_space<semaphore_mem>>) src(%dma_wait3A_202 : memref<8192xf32, #tpu.memory_space<hbm>>) dst(%arg14 : memref<8192xf32, #tpu.memory_space<vmem>>)
      tpu.yield
    }) : () -> ()
    %get3A = arith.constant 0 : index
    %get3A_21 = tpu.vector_load %arg11[%get3A] {strides = array<i32>} : memref<512xi32, #tpu.memory_space<vmem>>, vector<16xi32>,
    %gather3A = tpu.vector_load_idx %arg14[%get3A_21] : memref<8192xf32, #tpu.memory_space<vmem>>[vector<16xi32>], vector<16xf32>,
    %swap3A = arith.constant 0 : index
    %swap3A_22 = tpu.vector_load %arg15[%swap3A] {strides = array<i32>} : memref<512xf32, #tpu.memory_space<vmem>>, vector<16xf32>,
    tpu.vector_store %arg15[%swap3A], %gather3A {strides = array<i32>} : memref<512xf32, #tpu.memory_space<vmem>>, vector<16xf32>,
    %get3A_23 = arith.constant 16 : index
    %get3A_24 = tpu.vector_load %arg11[%get3A_23] {strides = array<i32>} : memref<512xi32, #tpu.memory_space<vmem>>, vector<16xi32>,
    %gather3A_25 = tpu.vector_load_idx %arg14[%get3A_24] : memref<8192xf32, #tpu.memory_space<vmem>>[vector<16xi32>], vector<16xf32>,
    %swap3A_26 = arith.constant 16 : index
    %swap3A_27 = tpu.vector_load %arg15[%swap3A_26] {strides = array<i32>} : memref<512xf32, #tpu.memory_space<vmem>>, vector<16xf32>,
    tpu.vector_store %arg15[%swap3A_26], %gather3A_25 {strides = array<i32>} : memref<512xf32, #tpu.memory_space<vmem>>, vector<16xf32>,
    %get3A_28 = arith.constant 32 : index
    %get3A_29 = tpu.vector_load %arg11[%get3A_28] {strides = array<i32>} : memref<512xi32, #tpu.memory_space<vmem>>, vector<16xi32>,
    %gather3A_30 = tpu.vector_load_idx %arg14[%get3A_29] : memref<8192xf32, #tpu.memory_space<vmem>>[vector<16xi32>], vector<16xf32>,
    %swap3A_31 = arith.constant 32 : index
    %swap3A_32 = tpu.vector_load %arg15[%swap3A_31] {strides = array<i32>} : memref<512xf32, #tpu.memory_space<vmem>>, vector<16xf32>,
    tpu.vector_store %arg15[%swap3A_31], %gather3A_30 {strides = array<i32>} : memref<512xf32, #tpu.memory_space<vmem>>, vector<16xf32>,
    %get3A_33 = arith.constant 48 : index
    %get3A_34 = tpu.vector_load %arg11[%get3A_33] {strides = array<i32>} : memref<512xi32, #tpu.memory_space<vmem>>, vector<16xi32>,
    %gather3A_35 = tpu.vector_load_idx %arg14[%get3A_34] : memref<8192xf32, #tpu.memory_space<vmem>>[vector<16xi32>], vector<16xf32>,
    %swap3A_36 = arith.constant 48 : index
    %swap3A_37 = tpu.vector_load %arg15[%swap3A_36] {strides = array<i32>} : memref<512xf32, #tpu.memory_space<vmem>>, vector<16xf32>,
    tpu.vector_store %arg15[%swap3A_36], %gather3A_35 {strides = array<i32>} : memref<512xf32, #tpu.memory_space<vmem>>, vector<16xf32>,
    %get3A_38 = arith.constant 64 : index
    %get3A_39 = tpu.vector_load %arg11[%get3A_38] {strides = array<i32>} : memref<512xi32, #tpu.memory_space<vmem>>, vector<16xi32>,
    %gather3A_40 = tpu.vector_load_idx %arg14[%get3A_39] : memref<8192xf32, #tpu.memory_space<vmem>>[vector<16xi32>], vector<16xf32>,
    %swap3A_41 = arith.constant 64 : index
    %swap3A_42 = tpu.vector_load %arg15[%swap3A_41] {strides = array<i32>} : memref<512xf32, #tpu.memory_space<vmem>>, vector<16xf32>,
    tpu.vector_store %arg15[%swap3A_41], %gather3A_40 {strides = array<i32>} : memref<512xf32, #tpu.memory_space<vmem>>, vector<16xf32>,
    %get3A_43 = arith.constant 80 : index
    %get3A_44 = tpu.vector_load %arg11[%get3A_43] {strides = array<i32>} : memref<512xi32, #tpu.memory_space<vmem>>, vector<16xi32>,
    %gather3A_45 = tpu.vector_load_idx %arg14[%get3A_44] : memref<8192xf32, #tpu.memory_space<vmem>>[vector<16xi32>], vector<16xf32>,
    %swap3A_46 = arith.constant 80 : index
    %swap3A_47 = tpu.vector_load %arg15[%swap3A_46] {strides = array<i32>} : memref<512xf32, #tpu.memory_space<vmem>>, vector<16xf32>,
    tpu.vector_store %arg15[%swap3A_46], %gather3A_45 {strides = array<i32>} : memref<512xf32, #tpu.memory_space<vmem>>, vector<16xf32>,
    %get3A_48 = arith.constant 96 : index
    %get3A_49 = tpu.vector_load %arg11[%get3A_48] {strides = array<i32>} : memref<512xi32, #tpu.memory_space<vmem>>, vector<16xi32>,
    %gather3A_50 = tpu.vector_load_idx %arg14[%get3A_49] : memref<8192xf32, #tpu.memory_space<vmem>>[vector<16xi32>], vector<16xf32>,
    %swap3A_51 = arith.constant 96 : index
    %swap3A_52 = tpu.vector_load %arg15[%swap3A_51] {strides = array<i32>} : memref<512xf32, #tpu.memory_space<vmem>>, vector<16xf32>,
    tpu.vector_store %arg15[%swap3A_51], %gather3A_50 {strides = array<i32>} : memref<512xf32, #tpu.memory_space<vmem>>, vector<16xf32>,
    %get3A_53 = arith.constant 112 : index
    %get3A_54 = tpu.vector_load %arg11[%get3A_53] {strides = array<i32>} : memref<512xi32, #tpu.memory_space<vmem>>, vector<16xi32>,
    %gather3A_55 = tpu.vector_load_idx %arg14[%get3A_54] : memref<8192xf32, #tpu.memory_space<vmem>>[vector<16xi32>], vector<16xf32>,
    %swap3A_56 = arith.constant 112 : index
    %swap3A_57 = tpu.vector_load %arg15[%swap3A_56] {strides = array<i32>} : memref<512xf32, #tpu.memory_space<vmem>>, vector<16xf32>,
    tpu.vector_store %arg15[%swap3A_56], %gather3A_55 {strides = array<i32>} : memref<512xf32, #tpu.memory_space<vmem>>, vector<16xf32>,
    %get3A_58 = arith.constant 128 : index
    %get3A_59 = tpu.vector_load %arg11[%get3A_58] {strides = array<i32>} : memref<512xi32, #tpu.memory_space<vmem>>, vector<16xi32>,
    %gather3A_60 = tpu.vector_load_idx %arg14[%get3A_59] : memref<8192xf32, #tpu.memory_space<vmem>>[vector<16xi32>], vector<16xf32>,
    %swap3A_61 = arith.constant 128 : index
    %swap3A_62 = tpu.vector_load %arg15[%swap3A_61] {strides = array<i32>} : memref<512xf32, #tpu.memory_space<vmem>>, vector<16xf32>,
    tpu.vector_store %arg15[%swap3A_61], %gather3A_60 {strides = array<i32>} : memref<512xf32, #tpu.memory_space<vmem>>, vector<16xf32>,
    %get3A_63 = arith.constant 144 : index
    %get3A_64 = tpu.vector_load %arg11[%get3A_63] {strides = array<i32>} : memref<512xi32, #tpu.memory_space<vmem>>, vector<16xi32>,
    %gather3A_65 = tpu.vector_load_idx %arg14[%get3A_64] : memref<8192xf32, #tpu.memory_space<vmem>>[vector<16xi32>], vector<16xf32>,
    %swap3A_66 = arith.constant 144 : index
    %swap3A_67 = tpu.vector_load %arg15[%swap3A_66] {strides = array<i32>} : memref<512xf32, #tpu.memory_space<vmem>>, vector<16xf32>,
    tpu.vector_store %arg15[%swap3A_66], %gather3A_65 {strides = array<i32>} : memref<512xf32, #tpu.memory_space<vmem>>, vector<16xf32>,
    %get3A_68 = arith.constant 160 : index
    %get3A_69 = tpu.vector_load %arg11[%get3A_68] {strides = array<i32>} : memref<512xi32, #tpu.memory_space<vmem>>, vector<16xi32>,
    %gather3A_70 = tpu.vector_load_idx %arg14[%get3A_69] : memref<8192xf32, #tpu.memory_space<vmem>>[vector<16xi32>], vector<16xf32>,
    %swap3A_71 = arith.constant 160 : index
    %swap3A_72 = tpu.vector_load %arg15[%swap3A_71] {strides = array<i32>} : memref<512xf32, #tpu.memory_space<vmem>>, vector<16xf32>,
    tpu.vector_store %arg15[%swap3A_71], %gather3A_70 {strides = array<i32>} : memref<512xf32, #tpu.memory_space<vmem>>, vector<16xf32>,
    %get3A_73 = arith.constant 176 : index
    %get3A_74 = tpu.vector_load %arg11[%get3A_73] {strides = array<i32>} : memref<512xi32, #tpu.memory_space<vmem>>, vector<16xi32>,
    %gather3A_75 = tpu.vector_load_idx %arg14[%get3A_74] : memref<8192xf32, #tpu.memory_space<vmem>>[vector<16xi32>], vector<16xf32>,
    %swap3A_76 = arith.constant 176 : index
    %swap3A_77 = tpu.vector_load %arg15[%swap3A_76] {strides = array<i32>} : memref<512xf32, #tpu.memory_space<vmem>>, vector<16xf32>,
    tpu.vector_store %arg15[%swap3A_76], %gather3A_75 {strides = array<i32>} : memref<512xf32, #tpu.memory_space<vmem>>, vector<16xf32>,
    %get3A_78 = arith.constant 192 : index
    %get3A_79 = tpu.vector_load %arg11[%get3A_78] {strides = array<i32>} : memref<512xi32, #tpu.memory_space<vmem>>, vector<16xi32>,
    %gather3A_80 = tpu.vector_load_idx %arg14[%get3A_79] : memref<8192xf32, #tpu.memory_space<vmem>>[vector<16xi32>], vector<16xf32>,
    %swap3A_81 = arith.constant 192 : index
    %swap3A_82 = tpu.vector_load %arg15[%swap3A_81] {strides = array<i32>} : memref<512xf32, #tpu.memory_space<vmem>>, vector<16xf32>,
    tpu.vector_store %arg15[%swap3A_81], %gather3A_80 {strides = array<i32>} : memref<512xf32, #tpu.memory_space<vmem>>, vector<16xf32>,
    %get3A_83 = arith.constant 208 : index
    %get3A_84 = tpu.vector_load %arg11[%get3A_83] {strides = array<i32>} : memref<512xi32, #tpu.memory_space<vmem>>, vector<16xi32>,
    %gather3A_85 = tpu.vector_load_idx %arg14[%get3A_84] : memref<8192xf32, #tpu.memory_space<vmem>>[vector<16xi32>], vector<16xf32>,
    %swap3A_86 = arith.constant 208 : index
    %swap3A_87 = tpu.vector_load %arg15[%swap3A_86] {strides = array<i32>} : memref<512xf32, #tpu.memory_space<vmem>>, vector<16xf32>,
    tpu.vector_store %arg15[%swap3A_86], %gather3A_85 {strides = array<i32>} : memref<512xf32, #tpu.memory_space<vmem>>, vector<16xf32>,
    %get3A_88 = arith.constant 224 : index
    %get3A_89 = tpu.vector_load %arg11[%get3A_88] {strides = array<i32>} : memref<512xi32, #tpu.memory_space<vmem>>, vector<16xi32>,
    %gather3A_90 = tpu.vector_load_idx %arg14[%get3A_89] : memref<8192xf32, #tpu.memory_space<vmem>>[vector<16xi32>], vector<16xf32>,
    %swap3A_91 = arith.constant 224 : index
    %swap3A_92 = tpu.vector_load %arg15[%swap3A_91] {strides = array<i32>} : memref<512xf32, #tpu.memory_space<vmem>>, vector<16xf32>,
    tpu.vector_store %arg15[%swap3A_91], %gather3A_90 {strides = array<i32>} : memref<512xf32, #tpu.memory_space<vmem>>, vector<16xf32>,
    %get3A_93 = arith.constant 240 : index
    %get3A_94 = tpu.vector_load %arg11[%get3A_93] {strides = array<i32>} : memref<512xi32, #tpu.memory_space<vmem>>, vector<16xi32>,
    %gather3A_95 = tpu.vector_load_idx %arg14[%get3A_94] : memref<8192xf32, #tpu.memory_space<vmem>>[vector<16xi32>], vector<16xf32>,
    %swap3A_96 = arith.constant 240 : index
    %swap3A_97 = tpu.vector_load %arg15[%swap3A_96] {strides = array<i32>} : memref<512xf32, #tpu.memory_space<vmem>>, vector<16xf32>,
    tpu.vector_store %arg15[%swap3A_96], %gather3A_95 {strides = array<i32>} : memref<512xf32, #tpu.memory_space<vmem>>, vector<16xf32>,
    %get3A_98 = arith.constant 256 : index
    %get3A_99 = tpu.vector_load %arg11[%get3A_98] {strides = array<i32>} : memref<512xi32, #tpu.memory_space<vmem>>, vector<16xi32>,
    %gather3A_100 = tpu.vector_load_idx %arg14[%get3A_99] : memref<8192xf32, #tpu.memory_space<vmem>>[vector<16xi32>], vector<16xf32>,
    %swap3A_101 = arith.constant 256 : index
    %swap3A_102 = tpu.vector_load %arg15[%swap3A_101] {strides = array<i32>} : memref<512xf32, #tpu.memory_space<vmem>>, vector<16xf32>,
    tpu.vector_store %arg15[%swap3A_101], %gather3A_100 {strides = array<i32>} : memref<512xf32, #tpu.memory_space<vmem>>, vector<16xf32>,
    %get3A_103 = arith.constant 272 : index
    %get3A_104 = tpu.vector_load %arg11[%get3A_103] {strides = array<i32>} : memref<512xi32, #tpu.memory_space<vmem>>, vector<16xi32>,
    %gather3A_105 = tpu.vector_load_idx %arg14[%get3A_104] : memref<8192xf32, #tpu.memory_space<vmem>>[vector<16xi32>], vector<16xf32>,
    %swap3A_106 = arith.constant 272 : index
    %swap3A_107 = tpu.vector_load %arg15[%swap3A_106] {strides = array<i32>} : memref<512xf32, #tpu.memory_space<vmem>>, vector<16xf32>,
    tpu.vector_store %arg15[%swap3A_106], %gather3A_105 {strides = array<i32>} : memref<512xf32, #tpu.memory_space<vmem>>, vector<16xf32>,
    %get3A_108 = arith.constant 288 : index
    %get3A_109 = tpu.vector_load %arg11[%get3A_108] {strides = array<i32>} : memref<512xi32, #tpu.memory_space<vmem>>, vector<16xi32>,
    %gather3A_110 = tpu.vector_load_idx %arg14[%get3A_109] : memref<8192xf32, #tpu.memory_space<vmem>>[vector<16xi32>], vector<16xf32>,
    %swap3A_111 = arith.constant 288 : index
    %swap3A_112 = tpu.vector_load %arg15[%swap3A_111] {strides = array<i32>} : memref<512xf32, #tpu.memory_space<vmem>>, vector<16xf32>,
    tpu.vector_store %arg15[%swap3A_111], %gather3A_110 {strides = array<i32>} : memref<512xf32, #tpu.memory_space<vmem>>, vector<16xf32>,
    %get3A_113 = arith.constant 304 : index
    %get3A_114 = tpu.vector_load %arg11[%get3A_113] {strides = array<i32>} : memref<512xi32, #tpu.memory_space<vmem>>, vector<16xi32>,
    %gather3A_115 = tpu.vector_load_idx %arg14[%get3A_114] : memref<8192xf32, #tpu.memory_space<vmem>>[vector<16xi32>], vector<16xf32>,
    %swap3A_116 = arith.constant 304 : index
    %swap3A_117 = tpu.vector_load %arg15[%swap3A_116] {strides = array<i32>} : memref<512xf32, #tpu.memory_space<vmem>>, vector<16xf32>,
    tpu.vector_store %arg15[%swap3A_116], %gather3A_115 {strides = array<i32>} : memref<512xf32, #tpu.memory_space<vmem>>, vector<16xf32>,
    %get3A_118 = arith.constant 320 : index
    %get3A_119 = tpu.vector_load %arg11[%get3A_118] {strides = array<i32>} : memref<512xi32, #tpu.memory_space<vmem>>, vector<16xi32>,
    %gather3A_120 = tpu.vector_load_idx %arg14[%get3A_119] : memref<8192xf32, #tpu.memory_space<vmem>>[vector<16xi32>], vector<16xf32>,
    %swap3A_121 = arith.constant 320 : index
    %swap3A_122 = tpu.vector_load %arg15[%swap3A_121] {strides = array<i32>} : memref<512xf32, #tpu.memory_space<vmem>>, vector<16xf32>,
    tpu.vector_store %arg15[%swap3A_121], %gather3A_120 {strides = array<i32>} : memref<512xf32, #tpu.memory_space<vmem>>, vector<16xf32>,
    %get3A_123 = arith.constant 336 : index
    %get3A_124 = tpu.vector_load %arg11[%get3A_123] {strides = array<i32>} : memref<512xi32, #tpu.memory_space<vmem>>, vector<16xi32>,
    %gather3A_125 = tpu.vector_load_idx %arg14[%get3A_124] : memref<8192xf32, #tpu.memory_space<vmem>>[vector<16xi32>], vector<16xf32>,
    %swap3A_126 = arith.constant 336 : index
    %swap3A_127 = tpu.vector_load %arg15[%swap3A_126] {strides = array<i32>} : memref<512xf32, #tpu.memory_space<vmem>>, vector<16xf32>,
    tpu.vector_store %arg15[%swap3A_126], %gather3A_125 {strides = array<i32>} : memref<512xf32, #tpu.memory_space<vmem>>, vector<16xf32>,
    %get3A_128 = arith.constant 352 : index
    %get3A_129 = tpu.vector_load %arg11[%get3A_128] {strides = array<i32>} : memref<512xi32, #tpu.memory_space<vmem>>, vector<16xi32>,
    %gather3A_130 = tpu.vector_load_idx %arg14[%get3A_129] : memref<8192xf32, #tpu.memory_space<vmem>>[vector<16xi32>], vector<16xf32>,
    %swap3A_131 = arith.constant 352 : index
    %swap3A_132 = tpu.vector_load %arg15[%swap3A_131] {strides = array<i32>} : memref<512xf32, #tpu.memory_space<vmem>>, vector<16xf32>,
    tpu.vector_store %arg15[%swap3A_131], %gather3A_130 {strides = array<i32>} : memref<512xf32, #tpu.memory_space<vmem>>, vector<16xf32>,
    %get3A_133 = arith.constant 368 : index
    %get3A_134 = tpu.vector_load %arg11[%get3A_133] {strides = array<i32>} : memref<512xi32, #tpu.memory_space<vmem>>, vector<16xi32>,
    %gather3A_135 = tpu.vector_load_idx %arg14[%get3A_134] : memref<8192xf32, #tpu.memory_space<vmem>>[vector<16xi32>], vector<16xf32>,
    %swap3A_136 = arith.constant 368 : index
    %swap3A_137 = tpu.vector_load %arg15[%swap3A_136] {strides = array<i32>} : memref<512xf32, #tpu.memory_space<vmem>>, vector<16xf32>,
    tpu.vector_store %arg15[%swap3A_136], %gather3A_135 {strides = array<i32>} : memref<512xf32, #tpu.memory_space<vmem>>, vector<16xf32>,
    %get3A_138 = arith.constant 384 : index
    %get3A_139 = tpu.vector_load %arg11[%get3A_138] {strides = array<i32>} : memref<512xi32, #tpu.memory_space<vmem>>, vector<16xi32>,
    %gather3A_140 = tpu.vector_load_idx %arg14[%get3A_139] : memref<8192xf32, #tpu.memory_space<vmem>>[vector<16xi32>], vector<16xf32>,
    %swap3A_141 = arith.constant 384 : index
    %swap3A_142 = tpu.vector_load %arg15[%swap3A_141] {strides = array<i32>} : memref<512xf32, #tpu.memory_space<vmem>>, vector<16xf32>,
    tpu.vector_store %arg15[%swap3A_141], %gather3A_140 {strides = array<i32>} : memref<512xf32, #tpu.memory_space<vmem>>, vector<16xf32>,
    %get3A_143 = arith.constant 400 : index
    %get3A_144 = tpu.vector_load %arg11[%get3A_143] {strides = array<i32>} : memref<512xi32, #tpu.memory_space<vmem>>, vector<16xi32>,
    %gather3A_145 = tpu.vector_load_idx %arg14[%get3A_144] : memref<8192xf32, #tpu.memory_space<vmem>>[vector<16xi32>], vector<16xf32>,
    %swap3A_146 = arith.constant 400 : index
    %swap3A_147 = tpu.vector_load %arg15[%swap3A_146] {strides = array<i32>} : memref<512xf32, #tpu.memory_space<vmem>>, vector<16xf32>,
    tpu.vector_store %arg15[%swap3A_146], %gather3A_145 {strides = array<i32>} : memref<512xf32, #tpu.memory_space<vmem>>, vector<16xf32>,
    %get3A_148 = arith.constant 416 : index
    %get3A_149 = tpu.vector_load %arg11[%get3A_148] {strides = array<i32>} : memref<512xi32, #tpu.memory_space<vmem>>, vector<16xi32>,
    %gather3A_150 = tpu.vector_load_idx %arg14[%get3A_149] : memref<8192xf32, #tpu.memory_space<vmem>>[vector<16xi32>], vector<16xf32>,
    %swap3A_151 = arith.constant 416 : index
    %swap3A_152 = tpu.vector_load %arg15[%swap3A_151] {strides = array<i32>} : memref<512xf32, #tpu.memory_space<vmem>>, vector<16xf32>,
    tpu.vector_store %arg15[%swap3A_151], %gather3A_150 {strides = array<i32>} : memref<512xf32, #tpu.memory_space<vmem>>, vector<16xf32>,
    %get3A_153 = arith.constant 432 : index
    %get3A_154 = tpu.vector_load %arg11[%get3A_153] {strides = array<i32>} : memref<512xi32, #tpu.memory_space<vmem>>, vector<16xi32>,
    %gather3A_155 = tpu.vector_load_idx %arg14[%get3A_154] : memref<8192xf32, #tpu.memory_space<vmem>>[vector<16xi32>], vector<16xf32>,
    %swap3A_156 = arith.constant 432 : index
    %swap3A_157 = tpu.vector_load %arg15[%swap3A_156] {strides = array<i32>} : memref<512xf32, #tpu.memory_space<vmem>>, vector<16xf32>,
    tpu.vector_store %arg15[%swap3A_156], %gather3A_155 {strides = array<i32>} : memref<512xf32, #tpu.memory_space<vmem>>, vector<16xf32>,
    %get3A_158 = arith.constant 448 : index
    %get3A_159 = tpu.vector_load %arg11[%get3A_158] {strides = array<i32>} : memref<512xi32, #tpu.memory_space<vmem>>, vector<16xi32>,
    %gather3A_160 = tpu.vector_load_idx %arg14[%get3A_159] : memref<8192xf32, #tpu.memory_space<vmem>>[vector<16xi32>], vector<16xf32>,
    %swap3A_161 = arith.constant 448 : index
    %swap3A_162 = tpu.vector_load %arg15[%swap3A_161] {strides = array<i32>} : memref<512xf32, #tpu.memory_space<vmem>>, vector<16xf32>,
    tpu.vector_store %arg15[%swap3A_161], %gather3A_160 {strides = array<i32>} : memref<512xf32, #tpu.memory_space<vmem>>, vector<16xf32>,
    %get3A_163 = arith.constant 464 : index
    %get3A_164 = tpu.vector_load %arg11[%get3A_163] {strides = array<i32>} : memref<512xi32, #tpu.memory_space<vmem>>, vector<16xi32>,
    %gather3A_165 = tpu.vector_load_idx %arg14[%get3A_164] : memref<8192xf32, #tpu.memory_space<vmem>>[vector<16xi32>], vector<16xf32>,
    %swap3A_166 = arith.constant 464 : index
    %swap3A_167 = tpu.vector_load %arg15[%swap3A_166] {strides = array<i32>} : memref<512xf32, #tpu.memory_space<vmem>>, vector<16xf32>,
    tpu.vector_store %arg15[%swap3A_166], %gather3A_165 {strides = array<i32>} : memref<512xf32, #tpu.memory_space<vmem>>, vector<16xf32>,
    %get3A_168 = arith.constant 480 : index
    %get3A_169 = tpu.vector_load %arg11[%get3A_168] {strides = array<i32>} : memref<512xi32, #tpu.memory_space<vmem>>, vector<16xi32>,
    %gather3A_170 = tpu.vector_load_idx %arg14[%get3A_169] : memref<8192xf32, #tpu.memory_space<vmem>>[vector<16xi32>], vector<16xf32>,
    %swap3A_171 = arith.constant 480 : index
    %swap3A_172 = tpu.vector_load %arg15[%swap3A_171] {strides = array<i32>} : memref<512xf32, #tpu.memory_space<vmem>>, vector<16xf32>,
    tpu.vector_store %arg15[%swap3A_171], %gather3A_170 {strides = array<i32>} : memref<512xf32, #tpu.memory_space<vmem>>, vector<16xf32>,
    %get3A_173 = arith.constant 496 : index
    %get3A_174 = tpu.vector_load %arg11[%get3A_173] {strides = array<i32>} : memref<512xi32, #tpu.memory_space<vmem>>, vector<16xi32>,
    %gather3A_175 = tpu.vector_load_idx %arg14[%get3A_174] : memref<8192xf32, #tpu.memory_space<vmem>>[vector<16xi32>], vector<16xf32>,
    %swap3A_176 = arith.constant 496 : index
    %swap3A_177 = tpu.vector_load %arg15[%swap3A_176] {strides = array<i32>} : memref<512xf32, #tpu.memory_space<vmem>>, vector<16xf32>,
    tpu.vector_store %arg15[%swap3A_176], %gather3A_175 {strides = array<i32>} : memref<512xf32, #tpu.memory_space<vmem>>, vector<16xf32>,
    "tpu.region"() ({
      %run_scoped3A_192 = tpu.sem_alloc : memref<!tpu.dma_semaphore, #tpu.memory_space<semaphore_mem>>
      %dma_start3A = tpu.memref_slice %arg9[%mul3A_2] : memref<16384xf32, #tpu.memory_space<hbm>> -> memref<512xf32, #tpu.memory_space<hbm>>
      %dma_start3A_193 = tpu.memref_slice %arg9[%mul3A_2] : memref<16384xf32, #tpu.memory_space<hbm>> -> memref<512xf32, #tpu.memory_space<hbm>>
      tpu.enqueue_dma source(%arg15 : memref<512xf32, #tpu.memory_space<vmem>>) target(%dma_start3A_193 : memref<512xf32, #tpu.memory_space<hbm>>) target_semaphore(%run_scoped3A_192 : memref<!tpu.dma_semaphore, #tpu.memory_space<semaphore_mem>>)
      %dma_wait3A = tpu.memref_slice %arg9[%mul3A_2] : memref<16384xf32, #tpu.memory_space<hbm>> -> memref<512xf32, #tpu.memory_space<hbm>>
      %dma_wait3A_194 = tpu.memref_slice %arg9[%mul3A_2] : memref<16384xf32, #tpu.memory_space<hbm>> -> memref<512xf32, #tpu.memory_space<hbm>>
      tpu.wait_dma2 semaphore(%run_scoped3A_192 : memref<!tpu.dma_semaphore, #tpu.memory_space<semaphore_mem>>) src(%arg15 : memref<512xf32, #tpu.memory_space<vmem>>) dst(%dma_wait3A_194 : memref<512xf32, #tpu.memory_space<hbm>>)
      tpu.yield
    }) : () -> ()
    %eq3A = arith.constant 0 : i32
    %eq3A_178 = arith.cmpi eq, %arg1, %eq3A : i32
    %convert_element_type3A = arith.extui %eq3A_178 : i1 to i32
    %cond3A = arith.constant 0 : i32
    %cond3A_179 = arith.cmpi ne, %convert_element_type3A, %cond3A : i32
    scf.if %cond3A_179 {
      "tpu.region"() ({
        %run_scoped3A_192 = tpu.sem_alloc : memref<!tpu.dma_semaphore, #tpu.memory_space<semaphore_mem>>
        tpu.enqueue_dma source(%arg6 : memref<8192xf32, #tpu.memory_space<hbm>>) target(%arg17 : memref<8192xf32, #tpu.memory_space<vmem_shared>>) target_semaphore(%run_scoped3A_192 : memref<!tpu.dma_semaphore, #tpu.memory_space<semaphore_mem>>)
        tpu.wait_dma2 semaphore(%run_scoped3A_192 : memref<!tpu.dma_semaphore, #tpu.memory_space<semaphore_mem>>) src(%arg6 : memref<8192xf32, #tpu.memory_space<hbm>>) dst(%arg17 : memref<8192xf32, #tpu.memory_space<vmem_shared>>)
        tpu.yield
      }) : () -> ()
    } else {
    }
    %barrier3A = arith.constant 0 : index
    tpu.barrier barrier_id(%barrier3A)
    %run_scoped3A = arith.constant 0 : i32
    "tpu.region"() ({
      %run_scoped3A_192 = tpu.sem_alloc : memref<!tpu.dma_semaphore, #tpu.memory_space<semaphore_mem>>
      %dma_start3A = arith.constant 0 : i32
      %dma_start3A_193 = tpu.memref_slice %arg12[%run_scoped3A, %dma_start3A] : memref<4x128xi32, #tpu.memory_space<vmem>> -> memref<1x128xi32, #tpu.memory_space<vmem>>
      %dma_start3A_194 = tpu.memref_squeeze %dma_start3A_193 : memref<1x128xi32, #tpu.memory_space<vmem>> -> memref<128xi32, #tpu.memory_space<vmem>>
      %dma_start3A_195 = arith.constant 0 : i32
      %dma_start3A_196 = tpu.memref_slice %arg17[%dma_start3A_195] : memref<8192xf32, #tpu.memory_space<vmem_shared>> -> memref<8192xf32, #tpu.memory_space<vmem_shared>>
      tpu.enqueue_indirect_dma source(%arg16 : memref<128xf32, #tpu.memory_space<vmem>>) target(%dma_start3A_196 : memref<8192xf32, #tpu.memory_space<vmem_shared>>) offsets(%dma_start3A_194 : memref<128xi32, #tpu.memory_space<vmem>>) semaphore(%run_scoped3A_192 : memref<!tpu.dma_semaphore, #tpu.memory_space<semaphore_mem>>) {add = true}
      %dma_wait3A = arith.constant 0 : i32
      %dma_wait3A_197 = tpu.memref_slice %arg12[%run_scoped3A, %dma_wait3A] : memref<4x128xi32, #tpu.memory_space<vmem>> -> memref<1x128xi32, #tpu.memory_space<vmem>>
      %dma_wait3A_198 = tpu.memref_squeeze %dma_wait3A_197 : memref<1x128xi32, #tpu.memory_space<vmem>> -> memref<128xi32, #tpu.memory_space<vmem>>
      %dma_wait3A_199 = arith.constant 0 : i32
      %dma_wait3A_200 = tpu.memref_slice %arg17[%dma_wait3A_199] : memref<8192xf32, #tpu.memory_space<vmem_shared>> -> memref<8192xf32, #tpu.memory_space<vmem_shared>>
      tpu.wait_indirect_dma semaphore(%run_scoped3A_192 : memref<!tpu.dma_semaphore, #tpu.memory_space<semaphore_mem>>) src(%arg16 : memref<128xf32, #tpu.memory_space<vmem>>) dst(%dma_wait3A_200 : memref<8192xf32, #tpu.memory_space<vmem_shared>>)
      tpu.yield
    }) : () -> ()
    %run_scoped3A_180 = arith.constant 1 : i32
    "tpu.region"() ({
      %run_scoped3A_192 = tpu.sem_alloc : memref<!tpu.dma_semaphore, #tpu.memory_space<semaphore_mem>>
      %dma_start3A = arith.constant 0 : i32
      %dma_start3A_193 = tpu.memref_slice %arg12[%run_scoped3A_180, %dma_start3A] : memref<4x128xi32, #tpu.memory_space<vmem>> -> memref<1x128xi32, #tpu.memory_space<vmem>>
      %dma_start3A_194 = tpu.memref_squeeze %dma_start3A_193 : memref<1x128xi32, #tpu.memory_space<vmem>> -> memref<128xi32, #tpu.memory_space<vmem>>
      %dma_start3A_195 = arith.constant 0 : i32
      %dma_start3A_196 = tpu.memref_slice %arg17[%dma_start3A_195] : memref<8192xf32, #tpu.memory_space<vmem_shared>> -> memref<8192xf32, #tpu.memory_space<vmem_shared>>
      tpu.enqueue_indirect_dma source(%arg16 : memref<128xf32, #tpu.memory_space<vmem>>) target(%dma_start3A_196 : memref<8192xf32, #tpu.memory_space<vmem_shared>>) offsets(%dma_start3A_194 : memref<128xi32, #tpu.memory_space<vmem>>) semaphore(%run_scoped3A_192 : memref<!tpu.dma_semaphore, #tpu.memory_space<semaphore_mem>>) {add = true}
      %dma_wait3A = arith.constant 0 : i32
      %dma_wait3A_197 = tpu.memref_slice %arg12[%run_scoped3A_180, %dma_wait3A] : memref<4x128xi32, #tpu.memory_space<vmem>> -> memref<1x128xi32, #tpu.memory_space<vmem>>
      %dma_wait3A_198 = tpu.memref_squeeze %dma_wait3A_197 : memref<1x128xi32, #tpu.memory_space<vmem>> -> memref<128xi32, #tpu.memory_space<vmem>>
      %dma_wait3A_199 = arith.constant 0 : i32
      %dma_wait3A_200 = tpu.memref_slice %arg17[%dma_wait3A_199] : memref<8192xf32, #tpu.memory_space<vmem_shared>> -> memref<8192xf32, #tpu.memory_space<vmem_shared>>
      tpu.wait_indirect_dma semaphore(%run_scoped3A_192 : memref<!tpu.dma_semaphore, #tpu.memory_space<semaphore_mem>>) src(%arg16 : memref<128xf32, #tpu.memory_space<vmem>>) dst(%dma_wait3A_200 : memref<8192xf32, #tpu.memory_space<vmem_shared>>)
      tpu.yield
    }) : () -> ()
    %run_scoped3A_181 = arith.constant 2 : i32
    "tpu.region"() ({
      %run_scoped3A_192 = tpu.sem_alloc : memref<!tpu.dma_semaphore, #tpu.memory_space<semaphore_mem>>
      %dma_start3A = arith.constant 0 : i32
      %dma_start3A_193 = tpu.memref_slice %arg12[%run_scoped3A_181, %dma_start3A] : memref<4x128xi32, #tpu.memory_space<vmem>> -> memref<1x128xi32, #tpu.memory_space<vmem>>
      %dma_start3A_194 = tpu.memref_squeeze %dma_start3A_193 : memref<1x128xi32, #tpu.memory_space<vmem>> -> memref<128xi32, #tpu.memory_space<vmem>>
      %dma_start3A_195 = arith.constant 0 : i32
      %dma_start3A_196 = tpu.memref_slice %arg17[%dma_start3A_195] : memref<8192xf32, #tpu.memory_space<vmem_shared>> -> memref<8192xf32, #tpu.memory_space<vmem_shared>>
      tpu.enqueue_indirect_dma source(%arg16 : memref<128xf32, #tpu.memory_space<vmem>>) target(%dma_start3A_196 : memref<8192xf32, #tpu.memory_space<vmem_shared>>) offsets(%dma_start3A_194 : memref<128xi32, #tpu.memory_space<vmem>>) semaphore(%run_scoped3A_192 : memref<!tpu.dma_semaphore, #tpu.memory_space<semaphore_mem>>) {add = true}
      %dma_wait3A = arith.constant 0 : i32
      %dma_wait3A_197 = tpu.memref_slice %arg12[%run_scoped3A_181, %dma_wait3A] : memref<4x128xi32, #tpu.memory_space<vmem>> -> memref<1x128xi32, #tpu.memory_space<vmem>>
      %dma_wait3A_198 = tpu.memref_squeeze %dma_wait3A_197 : memref<1x128xi32, #tpu.memory_space<vmem>> -> memref<128xi32, #tpu.memory_space<vmem>>
      %dma_wait3A_199 = arith.constant 0 : i32
      %dma_wait3A_200 = tpu.memref_slice %arg17[%dma_wait3A_199] : memref<8192xf32, #tpu.memory_space<vmem_shared>> -> memref<8192xf32, #tpu.memory_space<vmem_shared>>
      tpu.wait_indirect_dma semaphore(%run_scoped3A_192 : memref<!tpu.dma_semaphore, #tpu.memory_space<semaphore_mem>>) src(%arg16 : memref<128xf32, #tpu.memory_space<vmem>>) dst(%dma_wait3A_200 : memref<8192xf32, #tpu.memory_space<vmem_shared>>)
      tpu.yield
    }) : () -> ()
    %run_scoped3A_182 = arith.constant 3 : i32
    "tpu.region"() ({
      %run_scoped3A_192 = tpu.sem_alloc : memref<!tpu.dma_semaphore, #tpu.memory_space<semaphore_mem>>
      %dma_start3A = arith.constant 0 : i32
      %dma_start3A_193 = tpu.memref_slice %arg12[%run_scoped3A_182, %dma_start3A] : memref<4x128xi32, #tpu.memory_space<vmem>> -> memref<1x128xi32, #tpu.memory_space<vmem>>
      %dma_start3A_194 = tpu.memref_squeeze %dma_start3A_193 : memref<1x128xi32, #tpu.memory_space<vmem>> -> memref<128xi32, #tpu.memory_space<vmem>>
      %dma_start3A_195 = arith.constant 0 : i32
      %dma_start3A_196 = tpu.memref_slice %arg17[%dma_start3A_195] : memref<8192xf32, #tpu.memory_space<vmem_shared>> -> memref<8192xf32, #tpu.memory_space<vmem_shared>>
      tpu.enqueue_indirect_dma source(%arg16 : memref<128xf32, #tpu.memory_space<vmem>>) target(%dma_start3A_196 : memref<8192xf32, #tpu.memory_space<vmem_shared>>) offsets(%dma_start3A_194 : memref<128xi32, #tpu.memory_space<vmem>>) semaphore(%run_scoped3A_192 : memref<!tpu.dma_semaphore, #tpu.memory_space<semaphore_mem>>) {add = true}
      %dma_wait3A = arith.constant 0 : i32
      %dma_wait3A_197 = tpu.memref_slice %arg12[%run_scoped3A_182, %dma_wait3A] : memref<4x128xi32, #tpu.memory_space<vmem>> -> memref<1x128xi32, #tpu.memory_space<vmem>>
      %dma_wait3A_198 = tpu.memref_squeeze %dma_wait3A_197 : memref<1x128xi32, #tpu.memory_space<vmem>> -> memref<128xi32, #tpu.memory_space<vmem>>
      %dma_wait3A_199 = arith.constant 0 : i32
      %dma_wait3A_200 = tpu.memref_slice %arg17[%dma_wait3A_199] : memref<8192xf32, #tpu.memory_space<vmem_shared>> -> memref<8192xf32, #tpu.memory_space<vmem_shared>>
      tpu.wait_indirect_dma semaphore(%run_scoped3A_192 : memref<!tpu.dma_semaphore, #tpu.memory_space<semaphore_mem>>) src(%arg16 : memref<128xf32, #tpu.memory_space<vmem>>) dst(%dma_wait3A_200 : memref<8192xf32, #tpu.memory_space<vmem_shared>>)
      tpu.yield
    }) : () -> ()
    %barrier3A_183 = arith.constant 0 : index
    tpu.barrier barrier_id(%barrier3A_183)
    %mul3A_184 = arith.constant 512 : i32
    %mul3A_185 = arith.muli %arg1, %mul3A_184 : i32
    %mul3A_186 = arith.constant 512 : i32
    %mul3A_187 = arith.muli %arg1, %mul3A_186 : i32
    "tpu.region"() ({
      %run_scoped3A_192 = tpu.sem_alloc : memref<!tpu.dma_semaphore, #tpu.memory_space<semaphore_mem>>
      %dma_start3A = tpu.memref_slice %arg10[%arg0, %mul3A_187] : memref<2x8192xf32, #tpu.memory_space<hbm>> -> memref<1x512xf32, #tpu.memory_space<hbm>>
      %dma_start3A_193 = tpu.memref_squeeze %dma_start3A : memref<1x512xf32, #tpu.memory_space<hbm>> -> memref<512xf32, #tpu.memory_space<hbm>>
      %dma_start3A_194 = tpu.memref_slice %arg17[%mul3A_185] : memref<8192xf32, #tpu.memory_space<vmem_shared>> -> memref<512xf32, #tpu.memory_space<vmem_shared>>
      tpu.enqueue_dma source(%dma_start3A_194 : memref<512xf32, #tpu.memory_space<vmem_shared>>) target(%dma_start3A_193 : memref<512xf32, #tpu.memory_space<hbm>>) target_semaphore(%run_scoped3A_192 : memref<!tpu.dma_semaphore, #tpu.memory_space<semaphore_mem>>)
      %dma_wait3A = tpu.memref_slice %arg10[%arg0, %mul3A_187] : memref<2x8192xf32, #tpu.memory_space<hbm>> -> memref<1x512xf32, #tpu.memory_space<hbm>>
      %dma_wait3A_195 = tpu.memref_squeeze %dma_wait3A : memref<1x512xf32, #tpu.memory_space<hbm>> -> memref<512xf32, #tpu.memory_space<hbm>>
      %dma_wait3A_196 = tpu.memref_slice %arg17[%mul3A_185] : memref<8192xf32, #tpu.memory_space<vmem_shared>> -> memref<512xf32, #tpu.memory_space<vmem_shared>>
      tpu.wait_dma2 semaphore(%run_scoped3A_192 : memref<!tpu.dma_semaphore, #tpu.memory_space<semaphore_mem>>) src(%dma_wait3A_196 : memref<512xf32, #tpu.memory_space<vmem_shared>>) dst(%dma_wait3A_195 : memref<512xf32, #tpu.memory_space<hbm>>)
      tpu.yield
    }) : () -> ()
    %scan3A = arith.constant 0 : i32
    %scan3A_188 = arith.constant 16 : i32
    %scan3A_189 = arith.addi %scan3A, %scan3A_188 : i32
    %scan3A_190 = arith.constant 1 : i32
    scf.for %scan3A_192 = %scan3A to %scan3A_189 step %scan3A_190  : i32 {
      %mul3A_193 = arith.constant 2 : i32
      %mul3A_194 = arith.muli %scan3A_192, %mul3A_193 : i32
      %add3A_195 = arith.constant 0 : i32
      %add3A_196 = arith.addi %add3A_195, %mul3A_194 : i32
      %add3A_197 = arith.constant 0 : i32
      %add3A_198 = arith.addi %add3A_196, %add3A_197 : i32
      %mul3A_199 = arith.constant 16 : i32
      %mul3A_200 = arith.muli %add3A_198, %mul3A_199 : i32
      %dma_start3A = arith.constant 0 : i32
      %dma_start3A_201 = arith.constant 0 : i32
      %dma_start3A_202 = arith.constant 0 : i32
      %dma_start3A_203 = tpu.memref_slice %arg13[%dma_start3A, %dma_start3A_201, %dma_start3A_202] : memref<2x16x2048xf32, #tpu.memory_space<vmem>> -> memref<1x16x2048xf32, #tpu.memory_space<vmem>>
      %dma_start3A_204 = tpu.memref_squeeze %dma_start3A_203 : memref<1x16x2048xf32, #tpu.memory_space<vmem>> -> memref<16x2048xf32, #tpu.memory_space<vmem>>
      %dma_start3A_205 = tpu.memref_slice %arg11[%mul3A_200] : memref<512xi32, #tpu.memory_space<vmem>> -> memref<16xi32, #tpu.memory_space<vmem>>
      %dma_start3A_206 = arith.constant 0 : i32
      %dma_start3A_207 = arith.constant 0 : i32
      %dma_start3A_208 = tpu.memref_slice %arg2[%dma_start3A_206, %dma_start3A_207] : memref<8192x2048xf32, #tpu.memory_space<hbm>> -> memref<8192x2048xf32, #tpu.memory_space<hbm>>
      tpu.enqueue_indirect_dma source(%dma_start3A_208 : memref<8192x2048xf32, #tpu.memory_space<hbm>>) target(%dma_start3A_204 : memref<16x2048xf32, #tpu.memory_space<vmem>>) offsets(%dma_start3A_205 : memref<16xi32, #tpu.memory_space<vmem>>) semaphore(%arg18 : memref<!tpu.dma_semaphore, #tpu.memory_space<semaphore_mem>>)
      %add3A_209 = arith.constant 1 : i32
      %add3A_210 = arith.addi %add3A_196, %add3A_209 : i32
      %mul3A_211 = arith.constant 16 : i32
      %mul3A_212 = arith.muli %add3A_210, %mul3A_211 : i32
      %dma_start3A_213 = arith.constant 1 : i32
      %dma_start3A_214 = arith.constant 0 : i32
      %dma_start3A_215 = arith.constant 0 : i32
      %dma_start3A_216 = tpu.memref_slice %arg13[%dma_start3A_213, %dma_start3A_214, %dma_start3A_215] : memref<2x16x2048xf32, #tpu.memory_space<vmem>> -> memref<1x16x2048xf32, #tpu.memory_space<vmem>>
      %dma_start3A_217 = tpu.memref_squeeze %dma_start3A_216 : memref<1x16x2048xf32, #tpu.memory_space<vmem>> -> memref<16x2048xf32, #tpu.memory_space<vmem>>
      %dma_start3A_218 = tpu.memref_slice %arg11[%mul3A_212] : memref<512xi32, #tpu.memory_space<vmem>> -> memref<16xi32, #tpu.memory_space<vmem>>
      %dma_start3A_219 = arith.constant 0 : i32
      %dma_start3A_220 = arith.constant 0 : i32
      %dma_start3A_221 = tpu.memref_slice %arg2[%dma_start3A_219, %dma_start3A_220] : memref<8192x2048xf32, #tpu.memory_space<hbm>> -> memref<8192x2048xf32, #tpu.memory_space<hbm>>
      tpu.enqueue_indirect_dma source(%dma_start3A_221 : memref<8192x2048xf32, #tpu.memory_space<hbm>>) target(%dma_start3A_217 : memref<16x2048xf32, #tpu.memory_space<vmem>>) offsets(%dma_start3A_218 : memref<16xi32, #tpu.memory_space<vmem>>) semaphore(%arg19 : memref<!tpu.dma_semaphore, #tpu.memory_space<semaphore_mem>>)
      %dma_wait3A = arith.constant 0 : i32
      %dma_wait3A_222 = arith.constant 0 : i32
      %dma_wait3A_223 = arith.constant 0 : i32
      %dma_wait3A_224 = tpu.memref_slice %arg13[%dma_wait3A, %dma_wait3A_222, %dma_wait3A_223] : memref<2x16x2048xf32, #tpu.memory_space<vmem>> -> memref<1x16x2048xf32, #tpu.memory_space<vmem>>
      %dma_wait3A_225 = tpu.memref_squeeze %dma_wait3A_224 : memref<1x16x2048xf32, #tpu.memory_space<vmem>> -> memref<16x2048xf32, #tpu.memory_space<vmem>>
      %dma_wait3A_226 = tpu.memref_slice %arg11[%mul3A_200] : memref<512xi32, #tpu.memory_space<vmem>> -> memref<16xi32, #tpu.memory_space<vmem>>
      %dma_wait3A_227 = arith.constant 0 : i32
      %dma_wait3A_228 = arith.constant 0 : i32
      %dma_wait3A_229 = tpu.memref_slice %arg2[%dma_wait3A_227, %dma_wait3A_228] : memref<8192x2048xf32, #tpu.memory_space<hbm>> -> memref<8192x2048xf32, #tpu.memory_space<hbm>>
      tpu.wait_indirect_dma semaphore(%arg18 : memref<!tpu.dma_semaphore, #tpu.memory_space<semaphore_mem>>) src(%dma_wait3A_229 : memref<8192x2048xf32, #tpu.memory_space<hbm>>) dst(%dma_wait3A_225 : memref<16x2048xf32, #tpu.memory_space<vmem>>)
      %add3A_230 = arith.constant 0 : i32
      %add3A_231 = arith.addi %add3A_196, %add3A_230 : i32
      %mul3A_232 = arith.constant 16 : i32
      %mul3A_233 = arith.muli %add3A_231, %mul3A_232 : i32
      %add3A_234 = arith.addi %mul3A_2, %mul3A_233 : i32
      %dma_start3A_235 = arith.constant 0 : i32
      %dma_start3A_236 = arith.constant 0 : i32
      %dma_start3A_237 = arith.constant 0 : i32
      %dma_start3A_238 = tpu.memref_slice %arg13[%dma_start3A_235, %dma_start3A_236, %dma_start3A_237] : memref<2x16x2048xf32, #tpu.memory_space<vmem>> -> memref<1x16x2048xf32, #tpu.memory_space<vmem>>
      %dma_start3A_239 = tpu.memref_squeeze %dma_start3A_238 : memref<1x16x2048xf32, #tpu.memory_space<vmem>> -> memref<16x2048xf32, #tpu.memory_space<vmem>>
      %dma_start3A_240 = arith.constant 0 : i32
      %dma_start3A_241 = tpu.memref_slice %arg8[%add3A_234, %dma_start3A_240] : memref<16384x2048xf32, #tpu.memory_space<hbm>> -> memref<16x2048xf32, #tpu.memory_space<hbm>>
      %dma_start3A_242 = arith.constant 0 : i32
      %dma_start3A_243 = tpu.memref_slice %arg8[%add3A_234, %dma_start3A_242] : memref<16384x2048xf32, #tpu.memory_space<hbm>> -> memref<16x2048xf32, #tpu.memory_space<hbm>>
      %dma_start3A_244 = arith.constant 0 : i32
      %dma_start3A_245 = arith.constant 0 : i32
      %dma_start3A_246 = tpu.memref_slice %arg13[%dma_start3A_235, %dma_start3A_244, %dma_start3A_245] : memref<2x16x2048xf32, #tpu.memory_space<vmem>> -> memref<1x16x2048xf32, #tpu.memory_space<vmem>>
      %dma_start3A_247 = tpu.memref_squeeze %dma_start3A_246 : memref<1x16x2048xf32, #tpu.memory_space<vmem>> -> memref<16x2048xf32, #tpu.memory_space<vmem>>
      tpu.enqueue_dma source(%dma_start3A_247 : memref<16x2048xf32, #tpu.memory_space<vmem>>) target(%dma_start3A_243 : memref<16x2048xf32, #tpu.memory_space<hbm>>) target_semaphore(%arg20 : memref<!tpu.dma_semaphore, #tpu.memory_space<semaphore_mem>>)
      %dma_wait3A_248 = arith.constant 1 : i32
      %dma_wait3A_249 = arith.constant 0 : i32
      %dma_wait3A_250 = arith.constant 0 : i32
      %dma_wait3A_251 = tpu.memref_slice %arg13[%dma_wait3A_248, %dma_wait3A_249, %dma_wait3A_250] : memref<2x16x2048xf32, #tpu.memory_space<vmem>> -> memref<1x16x2048xf32, #tpu.memory_space<vmem>>
      %dma_wait3A_252 = tpu.memref_squeeze %dma_wait3A_251 : memref<1x16x2048xf32, #tpu.memory_space<vmem>> -> memref<16x2048xf32, #tpu.memory_space<vmem>>
      %dma_wait3A_253 = tpu.memref_slice %arg11[%mul3A_212] : memref<512xi32, #tpu.memory_space<vmem>> -> memref<16xi32, #tpu.memory_space<vmem>>
      %dma_wait3A_254 = arith.constant 0 : i32
      %dma_wait3A_255 = arith.constant 0 : i32
      %dma_wait3A_256 = tpu.memref_slice %arg2[%dma_wait3A_254, %dma_wait3A_255] : memref<8192x2048xf32, #tpu.memory_space<hbm>> -> memref<8192x2048xf32, #tpu.memory_space<hbm>>
      tpu.wait_indirect_dma semaphore(%arg19 : memref<!tpu.dma_semaphore, #tpu.memory_space<semaphore_mem>>) src(%dma_wait3A_256 : memref<8192x2048xf32, #tpu.memory_space<hbm>>) dst(%dma_wait3A_252 : memref<16x2048xf32, #tpu.memory_space<vmem>>)
      %add3A_257 = arith.constant 1 : i32
      %add3A_258 = arith.addi %add3A_196, %add3A_257 : i32
      %mul3A_259 = arith.constant 16 : i32
      %mul3A_260 = arith.muli %add3A_258, %mul3A_259 : i32
      %add3A_261 = arith.addi %mul3A_2, %mul3A_260 : i32
      %dma_start3A_262 = arith.constant 1 : i32
      %dma_start3A_263 = arith.constant 0 : i32
      %dma_start3A_264 = arith.constant 0 : i32
      %dma_start3A_265 = tpu.memref_slice %arg13[%dma_start3A_262, %dma_start3A_263, %dma_start3A_264] : memref<2x16x2048xf32, #tpu.memory_space<vmem>> -> memref<1x16x2048xf32, #tpu.memory_space<vmem>>
      %dma_start3A_266 = tpu.memref_squeeze %dma_start3A_265 : memref<1x16x2048xf32, #tpu.memory_space<vmem>> -> memref<16x2048xf32, #tpu.memory_space<vmem>>
      %dma_start3A_267 = arith.constant 0 : i32
      %dma_start3A_268 = tpu.memref_slice %arg8[%add3A_261, %dma_start3A_267] : memref<16384x2048xf32, #tpu.memory_space<hbm>> -> memref<16x2048xf32, #tpu.memory_space<hbm>>
      %dma_start3A_269 = arith.constant 0 : i32
      %dma_start3A_270 = tpu.memref_slice %arg8[%add3A_261, %dma_start3A_269] : memref<16384x2048xf32, #tpu.memory_space<hbm>> -> memref<16x2048xf32, #tpu.memory_space<hbm>>
      %dma_start3A_271 = arith.constant 0 : i32
      %dma_start3A_272 = arith.constant 0 : i32
      %dma_start3A_273 = tpu.memref_slice %arg13[%dma_start3A_262, %dma_start3A_271, %dma_start3A_272] : memref<2x16x2048xf32, #tpu.memory_space<vmem>> -> memref<1x16x2048xf32, #tpu.memory_space<vmem>>
      %dma_start3A_274 = tpu.memref_squeeze %dma_start3A_273 : memref<1x16x2048xf32, #tpu.memory_space<vmem>> -> memref<16x2048xf32, #tpu.memory_space<vmem>>
      tpu.enqueue_dma source(%dma_start3A_274 : memref<16x2048xf32, #tpu.memory_space<vmem>>) target(%dma_start3A_270 : memref<16x2048xf32, #tpu.memory_space<hbm>>) target_semaphore(%arg21 : memref<!tpu.dma_semaphore, #tpu.memory_space<semaphore_mem>>)
      %dma_wait3A_275 = arith.constant 0 : i32
      %dma_wait3A_276 = arith.constant 0 : i32
      %dma_wait3A_277 = arith.constant 0 : i32
      %dma_wait3A_278 = tpu.memref_slice %arg13[%dma_wait3A_275, %dma_wait3A_276, %dma_wait3A_277] : memref<2x16x2048xf32, #tpu.memory_space<vmem>> -> memref<1x16x2048xf32, #tpu.memory_space<vmem>>
      %dma_wait3A_279 = tpu.memref_squeeze %dma_wait3A_278 : memref<1x16x2048xf32, #tpu.memory_space<vmem>> -> memref<16x2048xf32, #tpu.memory_space<vmem>>
      %dma_wait3A_280 = arith.constant 0 : i32
      %dma_wait3A_281 = tpu.memref_slice %arg8[%add3A_234, %dma_wait3A_280] : memref<16384x2048xf32, #tpu.memory_space<hbm>> -> memref<16x2048xf32, #tpu.memory_space<hbm>>
      %dma_wait3A_282 = arith.constant 0 : i32
      %dma_wait3A_283 = tpu.memref_slice %arg8[%add3A_234, %dma_wait3A_282] : memref<16384x2048xf32, #tpu.memory_space<hbm>> -> memref<16x2048xf32, #tpu.memory_space<hbm>>
      %dma_wait3A_284 = arith.constant 0 : i32
      %dma_wait3A_285 = arith.constant 0 : i32
      %dma_wait3A_286 = tpu.memref_slice %arg13[%dma_wait3A_275, %dma_wait3A_284, %dma_wait3A_285] : memref<2x16x2048xf32, #tpu.memory_space<vmem>> -> memref<1x16x2048xf32, #tpu.memory_space<vmem>>
      %dma_wait3A_287 = tpu.memref_squeeze %dma_wait3A_286 : memref<1x16x2048xf32, #tpu.memory_space<vmem>> -> memref<16x2048xf32, #tpu.memory_space<vmem>>
      tpu.wait_dma2 semaphore(%arg20 : memref<!tpu.dma_semaphore, #tpu.memory_space<semaphore_mem>>) src(%dma_wait3A_287 : memref<16x2048xf32, #tpu.memory_space<vmem>>) dst(%dma_wait3A_283 : memref<16x2048xf32, #tpu.memory_space<hbm>>)
      %dma_wait3A_288 = arith.constant 1 : i32
      %dma_wait3A_289 = arith.constant 0 : i32
      %dma_wait3A_290 = arith.constant 0 : i32
      %dma_wait3A_291 = tpu.memref_slice %arg13[%dma_wait3A_288, %dma_wait3A_289, %dma_wait3A_290] : memref<2x16x2048xf32, #tpu.memory_space<vmem>> -> memref<1x16x2048xf32, #tpu.memory_space<vmem>>
      %dma_wait3A_292 = tpu.memref_squeeze %dma_wait3A_291 : memref<1x16x2048xf32, #tpu.memory_space<vmem>> -> memref<16x2048xf32, #tpu.memory_space<vmem>>
      %dma_wait3A_293 = arith.constant 0 : i32
      %dma_wait3A_294 = tpu.memref_slice %arg8[%add3A_261, %dma_wait3A_293] : memref<16384x2048xf32, #tpu.memory_space<hbm>> -> memref<16x2048xf32, #tpu.memory_space<hbm>>
      %dma_wait3A_295 = arith.constant 0 : i32
      %dma_wait3A_296 = tpu.memref_slice %arg8[%add3A_261, %dma_wait3A_295] : memref<16384x2048xf32, #tpu.memory_space<hbm>> -> memref<16x2048xf32, #tpu.memory_space<hbm>>
      %dma_wait3A_297 = arith.constant 0 : i32
      %dma_wait3A_298 = arith.constant 0 : i32
      %dma_wait3A_299 = tpu.memref_slice %arg13[%dma_wait3A_288, %dma_wait3A_297, %dma_wait3A_298] : memref<2x16x2048xf32, #tpu.memory_space<vmem>> -> memref<1x16x2048xf32, #tpu.memory_space<vmem>>
      %dma_wait3A_300 = tpu.memref_squeeze %dma_wait3A_299 : memref<1x16x2048xf32, #tpu.memory_space<vmem>> -> memref<16x2048xf32, #tpu.memory_space<vmem>>
      tpu.wait_dma2 semaphore(%arg21 : memref<!tpu.dma_semaphore, #tpu.memory_space<semaphore_mem>>) src(%dma_wait3A_300 : memref<16x2048xf32, #tpu.memory_space<vmem>>) dst(%dma_wait3A_296 : memref<16x2048xf32, #tpu.memory_space<hbm>>)
    }
    %scan3A_191 = arith.constant 16 : i32
    return
  }
}

module attributes {stable_mosaic.version = 14 : i64} {
  func.func @_p1_body(%arg0: i32, %arg1: i32, %arg2: memref<1x2048x2048xf32, #tpu.memory_space<vmem>>, %arg3: memref<1x1024x2048xf32, #tpu.memory_space<vmem>>, %arg4: memref<1x2048x1024xbf16, #tpu.memory_space<vmem>>) attributes {dimension_semantics = [#tpu.dimension_semantics<parallel>, #tpu.dimension_semantics<arbitrary>], iteration_bounds = array<i64: 8, 4>, scalar_prefetch = 0 : i64, scratch_operands = 0 : i64, tpu.core_type = #tpu.core_type<tc>, window_params = [{transform_indices = @transform_0, window_bounds = array<i64: 1, 2048, 2048>}, {transform_indices = @transform_1, window_bounds = array<i64: 1, 1024, 2048>}, {transform_indices = @transform_2, window_bounds = array<i64: 1, 2048, 1024>}]} {
    %get3A = arith.constant 0 : index
    %get3A_0 = arith.constant 0 : index
    %get3A_1 = arith.constant 0 : index
    %get3A_2 = vector.load %arg3[%get3A, %get3A_0, %get3A_1] : memref<1x1024x2048xf32, #tpu.memory_space<vmem>>, vector<1x1024x2048xf32>
    %get3A_3 = vector.shape_cast %get3A_2 : vector<1x1024x2048xf32> to vector<1024x2048xf32>
    %convert_element_type3A = arith.truncf %get3A_3 : vector<1024x2048xf32> to vector<1024x2048xbf16>
    %get3A_4 = arith.constant 0 : index
    %get3A_5 = arith.constant 0 : index
    %get3A_6 = arith.constant 0 : index
    %get3A_7 = vector.load %arg2[%get3A_4, %get3A_5, %get3A_6] : memref<1x2048x2048xf32, #tpu.memory_space<vmem>>, vector<1x512x2048xf32>
    %get3A_8 = vector.shape_cast %get3A_7 : vector<1x512x2048xf32> to vector<512x2048xf32>
    %convert_element_type3A_9 = arith.truncf %get3A_8 : vector<512x2048xf32> to vector<512x2048xbf16>
    %dot_general3A = arith.constant dense<0.000000e+00> : vector<512x1024xf32>
    %dot_general3A_10 = tpu.matmul %convert_element_type3A_9, %convert_element_type3A, %dot_general3A {dimension_numbers = #tpu.dot_dimension_numbers<[1], [1], [0], [0], [0, 0, 1, 0], [], []>, transpose_lhs_hint = false} : vector<512x2048xbf16>, vector<1024x2048xbf16>, vector<512x1024xf32> -> vector<512x1024xf32>
    %max3A = arith.constant 0.000000e+00 : f32
    %max3A_11 = vector.broadcast %max3A : f32 to vector<512x1024xf32>
    %max3A_12 = arith.maximumf %dot_general3A_10, %max3A_11 : vector<512x1024xf32>
    %square3A = arith.mulf %max3A_12, %max3A_12 : vector<512x1024xf32>
    %convert_element_type3A_13 = arith.truncf %square3A : vector<512x1024xf32> to vector<512x1024xbf16>
    %swap3A = arith.constant 0 : index
    %swap3A_14 = arith.constant 0 : index
    %swap3A_15 = arith.constant 0 : index
    %swap3A_16 = vector.load %arg4[%swap3A, %swap3A_14, %swap3A_15] : memref<1x2048x1024xbf16, #tpu.memory_space<vmem>>, vector<1x512x1024xbf16>
    %swap3A_17 = vector.shape_cast %swap3A_16 : vector<1x512x1024xbf16> to vector<512x1024xbf16>
    %swap3A_18 = vector.shape_cast %convert_element_type3A_13 : vector<512x1024xbf16> to vector<1x512x1024xbf16>
    tpu.vector_store %arg4[%swap3A, %swap3A_14, %swap3A_15], %swap3A_18 {strides = array<i32>} : memref<1x2048x1024xbf16, #tpu.memory_space<vmem>>, vector<1x512x1024xbf16>,
    %get3A_19 = arith.constant 0 : index
    %get3A_20 = arith.constant 512 : index
    %get3A_21 = arith.constant 0 : index
    %get3A_22 = vector.load %arg2[%get3A_19, %get3A_20, %get3A_21] : memref<1x2048x2048xf32, #tpu.memory_space<vmem>>, vector<1x512x2048xf32>
    %get3A_23 = vector.shape_cast %get3A_22 : vector<1x512x2048xf32> to vector<512x2048xf32>
    %convert_element_type3A_24 = arith.truncf %get3A_23 : vector<512x2048xf32> to vector<512x2048xbf16>
    %dot_general3A_25 = arith.constant dense<0.000000e+00> : vector<512x1024xf32>
    %dot_general3A_26 = tpu.matmul %convert_element_type3A_24, %convert_element_type3A, %dot_general3A_25 {dimension_numbers = #tpu.dot_dimension_numbers<[1], [1], [0], [0], [0, 0, 1, 0], [], []>, transpose_lhs_hint = false} : vector<512x2048xbf16>, vector<1024x2048xbf16>, vector<512x1024xf32> -> vector<512x1024xf32>
    %max3A_27 = arith.constant 0.000000e+00 : f32
    %max3A_28 = vector.broadcast %max3A_27 : f32 to vector<512x1024xf32>
    %max3A_29 = arith.maximumf %dot_general3A_26, %max3A_28 : vector<512x1024xf32>
    %square3A_30 = arith.mulf %max3A_29, %max3A_29 : vector<512x1024xf32>
    %convert_element_type3A_31 = arith.truncf %square3A_30 : vector<512x1024xf32> to vector<512x1024xbf16>
    %swap3A_32 = arith.constant 0 : index
    %swap3A_33 = arith.constant 512 : index
    %swap3A_34 = arith.constant 0 : index
    %swap3A_35 = vector.load %arg4[%swap3A_32, %swap3A_33, %swap3A_34] : memref<1x2048x1024xbf16, #tpu.memory_space<vmem>>, vector<1x512x1024xbf16>
    %swap3A_36 = vector.shape_cast %swap3A_35 : vector<1x512x1024xbf16> to vector<512x1024xbf16>
    %swap3A_37 = vector.shape_cast %convert_element_type3A_31 : vector<512x1024xbf16> to vector<1x512x1024xbf16>
    tpu.vector_store %arg4[%swap3A_32, %swap3A_33, %swap3A_34], %swap3A_37 {strides = array<i32>} : memref<1x2048x1024xbf16, #tpu.memory_space<vmem>>, vector<1x512x1024xbf16>,
    %get3A_38 = arith.constant 0 : index
    %get3A_39 = arith.constant 1024 : index
    %get3A_40 = arith.constant 0 : index
    %get3A_41 = vector.load %arg2[%get3A_38, %get3A_39, %get3A_40] : memref<1x2048x2048xf32, #tpu.memory_space<vmem>>, vector<1x512x2048xf32>
    %get3A_42 = vector.shape_cast %get3A_41 : vector<1x512x2048xf32> to vector<512x2048xf32>
    %convert_element_type3A_43 = arith.truncf %get3A_42 : vector<512x2048xf32> to vector<512x2048xbf16>
    %dot_general3A_44 = arith.constant dense<0.000000e+00> : vector<512x1024xf32>
    %dot_general3A_45 = tpu.matmul %convert_element_type3A_43, %convert_element_type3A, %dot_general3A_44 {dimension_numbers = #tpu.dot_dimension_numbers<[1], [1], [0], [0], [0, 0, 1, 0], [], []>, transpose_lhs_hint = false} : vector<512x2048xbf16>, vector<1024x2048xbf16>, vector<512x1024xf32> -> vector<512x1024xf32>
    %max3A_46 = arith.constant 0.000000e+00 : f32
    %max3A_47 = vector.broadcast %max3A_46 : f32 to vector<512x1024xf32>
    %max3A_48 = arith.maximumf %dot_general3A_45, %max3A_47 : vector<512x1024xf32>
    %square3A_49 = arith.mulf %max3A_48, %max3A_48 : vector<512x1024xf32>
    %convert_element_type3A_50 = arith.truncf %square3A_49 : vector<512x1024xf32> to vector<512x1024xbf16>
    %swap3A_51 = arith.constant 0 : index
    %swap3A_52 = arith.constant 1024 : index
    %swap3A_53 = arith.constant 0 : index
    %swap3A_54 = vector.load %arg4[%swap3A_51, %swap3A_52, %swap3A_53] : memref<1x2048x1024xbf16, #tpu.memory_space<vmem>>, vector<1x512x1024xbf16>
    %swap3A_55 = vector.shape_cast %swap3A_54 : vector<1x512x1024xbf16> to vector<512x1024xbf16>
    %swap3A_56 = vector.shape_cast %convert_element_type3A_50 : vector<512x1024xbf16> to vector<1x512x1024xbf16>
    tpu.vector_store %arg4[%swap3A_51, %swap3A_52, %swap3A_53], %swap3A_56 {strides = array<i32>} : memref<1x2048x1024xbf16, #tpu.memory_space<vmem>>, vector<1x512x1024xbf16>,
    %get3A_57 = arith.constant 0 : index
    %get3A_58 = arith.constant 1536 : index
    %get3A_59 = arith.constant 0 : index
    %get3A_60 = vector.load %arg2[%get3A_57, %get3A_58, %get3A_59] : memref<1x2048x2048xf32, #tpu.memory_space<vmem>>, vector<1x512x2048xf32>
    %get3A_61 = vector.shape_cast %get3A_60 : vector<1x512x2048xf32> to vector<512x2048xf32>
    %convert_element_type3A_62 = arith.truncf %get3A_61 : vector<512x2048xf32> to vector<512x2048xbf16>
    %dot_general3A_63 = arith.constant dense<0.000000e+00> : vector<512x1024xf32>
    %dot_general3A_64 = tpu.matmul %convert_element_type3A_62, %convert_element_type3A, %dot_general3A_63 {dimension_numbers = #tpu.dot_dimension_numbers<[1], [1], [0], [0], [0, 0, 1, 0], [], []>, transpose_lhs_hint = false} : vector<512x2048xbf16>, vector<1024x2048xbf16>, vector<512x1024xf32> -> vector<512x1024xf32>
    %max3A_65 = arith.constant 0.000000e+00 : f32
    %max3A_66 = vector.broadcast %max3A_65 : f32 to vector<512x1024xf32>
    %max3A_67 = arith.maximumf %dot_general3A_64, %max3A_66 : vector<512x1024xf32>
    %square3A_68 = arith.mulf %max3A_67, %max3A_67 : vector<512x1024xf32>
    %convert_element_type3A_69 = arith.truncf %square3A_68 : vector<512x1024xf32> to vector<512x1024xbf16>
    %swap3A_70 = arith.constant 0 : index
    %swap3A_71 = arith.constant 1536 : index
    %swap3A_72 = arith.constant 0 : index
    %swap3A_73 = vector.load %arg4[%swap3A_70, %swap3A_71, %swap3A_72] : memref<1x2048x1024xbf16, #tpu.memory_space<vmem>>, vector<1x512x1024xbf16>
    %swap3A_74 = vector.shape_cast %swap3A_73 : vector<1x512x1024xbf16> to vector<512x1024xbf16>
    %swap3A_75 = vector.shape_cast %convert_element_type3A_69 : vector<512x1024xbf16> to vector<1x512x1024xbf16>
    tpu.vector_store %arg4[%swap3A_70, %swap3A_71, %swap3A_72], %swap3A_75 {strides = array<i32>} : memref<1x2048x1024xbf16, #tpu.memory_space<vmem>>, vector<1x512x1024xbf16>,
    return
  }
  func.func @transform_0(%arg0: i32, %arg1: i32) -> (i32, i32, i32) {
    %c0_i32 = arith.constant 0 : i32
    %c0_i32_0 = arith.constant 0 : i32
    %c0_i32_1 = arith.constant 0 : i32
    return %arg0, %c0_i32, %c0_i32_0 : i32, i32, i32
  }
  func.func @transform_1(%arg0: i32, %arg1: i32) -> (i32, i32, i32) {
    %c0_i32 = arith.constant 0 : i32
    %c0_i32_0 = arith.constant 0 : i32
    return %arg0, %arg1, %c0_i32 : i32, i32, i32
  }
  func.func @transform_2(%arg0: i32, %arg1: i32) -> (i32, i32, i32) {
    %c0_i32 = arith.constant 0 : i32
    %c0_i32_0 = arith.constant 0 : i32
    return %arg0, %c0_i32, %arg1 : i32, i32, i32
  }
}

module attributes {stable_mosaic.version = 14 : i64} {
  func.func @_p2_body(%arg0: i32, %arg1: i32, %arg2: memref<1x2048x1024xbf16, #tpu.memory_space<vmem>>, %arg3: memref<1x2048x1024xf32, #tpu.memory_space<vmem>>, %arg4: memref<1x2048x2048xf32, #tpu.memory_space<vmem>>) attributes {dimension_semantics = [#tpu.dimension_semantics<parallel>, #tpu.dimension_semantics<arbitrary>], iteration_bounds = array<i64: 8, 4>, scalar_prefetch = 0 : i64, scratch_operands = 0 : i64, tpu.core_type = #tpu.core_type<tc>, window_params = [{transform_indices = @transform_0, window_bounds = array<i64: 1, 2048, 1024>}, {transform_indices = @transform_1, window_bounds = array<i64: 1, 2048, 1024>}, {transform_indices = @transform_2, window_bounds = array<i64: 1, 2048, 2048>}]} {
    %get3A = arith.constant 0 : index
    %get3A_0 = arith.constant 0 : index
    %get3A_1 = arith.constant 0 : index
    %get3A_2 = vector.load %arg3[%get3A, %get3A_0, %get3A_1] : memref<1x2048x1024xf32, #tpu.memory_space<vmem>>, vector<1x2048x1024xf32>
    %get3A_3 = vector.shape_cast %get3A_2 : vector<1x2048x1024xf32> to vector<2048x1024xf32>
    %convert_element_type3A = arith.truncf %get3A_3 : vector<2048x1024xf32> to vector<2048x1024xbf16>
    %get3A_4 = arith.constant 0 : index
    %get3A_5 = arith.constant 0 : index
    %get3A_6 = arith.constant 0 : index
    %get3A_7 = vector.load %arg2[%get3A_4, %get3A_5, %get3A_6] : memref<1x2048x1024xbf16, #tpu.memory_space<vmem>>, vector<1x256x1024xbf16>
    %get3A_8 = vector.shape_cast %get3A_7 : vector<1x256x1024xbf16> to vector<256x1024xbf16>
    %dot_general3A = arith.constant dense<0.000000e+00> : vector<256x2048xf32>
    %dot_general3A_9 = tpu.matmul %get3A_8, %convert_element_type3A, %dot_general3A {dimension_numbers = #tpu.dot_dimension_numbers<[1], [1], [0], [0], [0, 0, 1, 0], [], []>, transpose_lhs_hint = false} : vector<256x1024xbf16>, vector<2048x1024xbf16>, vector<256x2048xf32> -> vector<256x2048xf32>
    %eq3A = arith.constant 0 : i32
    %eq3A_10 = arith.cmpi eq, %arg1, %eq3A : i32
    %convert_element_type3A_11 = arith.extui %eq3A_10 : i1 to i32
    %cond3A = arith.constant 0 : i32
    %cond3A_12 = arith.cmpi ne, %convert_element_type3A_11, %cond3A : i32
    scf.if %cond3A_12 {
      %swap3A = arith.constant 0 : index
      %swap3A_136 = arith.constant 0 : index
      %swap3A_137 = arith.constant 0 : index
      %swap3A_138 = vector.load %arg4[%swap3A, %swap3A_136, %swap3A_137] : memref<1x2048x2048xf32, #tpu.memory_space<vmem>>, vector<1x256x2048xf32>
      %swap3A_139 = vector.shape_cast %swap3A_138 : vector<1x256x2048xf32> to vector<256x2048xf32>
      %swap3A_140 = vector.shape_cast %dot_general3A_9 : vector<256x2048xf32> to vector<1x256x2048xf32>
      tpu.vector_store %arg4[%swap3A, %swap3A_136, %swap3A_137], %swap3A_140 {strides = array<i32>} : memref<1x2048x2048xf32, #tpu.memory_space<vmem>>, vector<1x256x2048xf32>,
    } else {
    }
    %gt3A = arith.constant 0 : i32
    %gt3A_13 = arith.cmpi sgt, %arg1, %gt3A : i32
    %convert_element_type3A_14 = arith.extui %gt3A_13 : i1 to i32
    %cond3A_15 = arith.constant 0 : i32
    %cond3A_16 = arith.cmpi ne, %convert_element_type3A_14, %cond3A_15 : i32
    scf.if %cond3A_16 {
      %get3A_136 = arith.constant 0 : index
      %get3A_137 = arith.constant 0 : index
      %get3A_138 = arith.constant 0 : index
      %get3A_139 = vector.load %arg4[%get3A_136, %get3A_137, %get3A_138] : memref<1x2048x2048xf32, #tpu.memory_space<vmem>>, vector<1x256x2048xf32>
      %get3A_140 = vector.shape_cast %get3A_139 : vector<1x256x2048xf32> to vector<256x2048xf32>
      %add3A = arith.addf %get3A_140, %dot_general3A_9 : vector<256x2048xf32>
      %swap3A = arith.constant 0 : index
      %swap3A_141 = arith.constant 0 : index
      %swap3A_142 = arith.constant 0 : index
      %swap3A_143 = vector.load %arg4[%swap3A, %swap3A_141, %swap3A_142] : memref<1x2048x2048xf32, #tpu.memory_space<vmem>>, vector<1x256x2048xf32>
      %swap3A_144 = vector.shape_cast %swap3A_143 : vector<1x256x2048xf32> to vector<256x2048xf32>
      %swap3A_145 = vector.shape_cast %add3A : vector<256x2048xf32> to vector<1x256x2048xf32>
      tpu.vector_store %arg4[%swap3A, %swap3A_141, %swap3A_142], %swap3A_145 {strides = array<i32>} : memref<1x2048x2048xf32, #tpu.memory_space<vmem>>, vector<1x256x2048xf32>,
    } else {
    }
    %get3A_17 = arith.constant 0 : index
    %get3A_18 = arith.constant 256 : index
    %get3A_19 = arith.constant 0 : index
    %get3A_20 = vector.load %arg2[%get3A_17, %get3A_18, %get3A_19] : memref<1x2048x1024xbf16, #tpu.memory_space<vmem>>, vector<1x256x1024xbf16>
    %get3A_21 = vector.shape_cast %get3A_20 : vector<1x256x1024xbf16> to vector<256x1024xbf16>
    %dot_general3A_22 = arith.constant dense<0.000000e+00> : vector<256x2048xf32>
    %dot_general3A_23 = tpu.matmul %get3A_21, %convert_element_type3A, %dot_general3A_22 {dimension_numbers = #tpu.dot_dimension_numbers<[1], [1], [0], [0], [0, 0, 1, 0], [], []>, transpose_lhs_hint = false} : vector<256x1024xbf16>, vector<2048x1024xbf16>, vector<256x2048xf32> -> vector<256x2048xf32>
    %eq3A_24 = arith.constant 0 : i32
    %eq3A_25 = arith.cmpi eq, %arg1, %eq3A_24 : i32
    %convert_element_type3A_26 = arith.extui %eq3A_25 : i1 to i32
    %cond3A_27 = arith.constant 0 : i32
    %cond3A_28 = arith.cmpi ne, %convert_element_type3A_26, %cond3A_27 : i32
    scf.if %cond3A_28 {
      %swap3A = arith.constant 0 : index
      %swap3A_136 = arith.constant 256 : index
      %swap3A_137 = arith.constant 0 : index
      %swap3A_138 = vector.load %arg4[%swap3A, %swap3A_136, %swap3A_137] : memref<1x2048x2048xf32, #tpu.memory_space<vmem>>, vector<1x256x2048xf32>
      %swap3A_139 = vector.shape_cast %swap3A_138 : vector<1x256x2048xf32> to vector<256x2048xf32>
      %swap3A_140 = vector.shape_cast %dot_general3A_23 : vector<256x2048xf32> to vector<1x256x2048xf32>
      tpu.vector_store %arg4[%swap3A, %swap3A_136, %swap3A_137], %swap3A_140 {strides = array<i32>} : memref<1x2048x2048xf32, #tpu.memory_space<vmem>>, vector<1x256x2048xf32>,
    } else {
    }
    %gt3A_29 = arith.constant 0 : i32
    %gt3A_30 = arith.cmpi sgt, %arg1, %gt3A_29 : i32
    %convert_element_type3A_31 = arith.extui %gt3A_30 : i1 to i32
    %cond3A_32 = arith.constant 0 : i32
    %cond3A_33 = arith.cmpi ne, %convert_element_type3A_31, %cond3A_32 : i32
    scf.if %cond3A_33 {
      %get3A_136 = arith.constant 0 : index
      %get3A_137 = arith.constant 256 : index
      %get3A_138 = arith.constant 0 : index
      %get3A_139 = vector.load %arg4[%get3A_136, %get3A_137, %get3A_138] : memref<1x2048x2048xf32, #tpu.memory_space<vmem>>, vector<1x256x2048xf32>
      %get3A_140 = vector.shape_cast %get3A_139 : vector<1x256x2048xf32> to vector<256x2048xf32>
      %add3A = arith.addf %get3A_140, %dot_general3A_23 : vector<256x2048xf32>
      %swap3A = arith.constant 0 : index
      %swap3A_141 = arith.constant 256 : index
      %swap3A_142 = arith.constant 0 : index
      %swap3A_143 = vector.load %arg4[%swap3A, %swap3A_141, %swap3A_142] : memref<1x2048x2048xf32, #tpu.memory_space<vmem>>, vector<1x256x2048xf32>
      %swap3A_144 = vector.shape_cast %swap3A_143 : vector<1x256x2048xf32> to vector<256x2048xf32>
      %swap3A_145 = vector.shape_cast %add3A : vector<256x2048xf32> to vector<1x256x2048xf32>
      tpu.vector_store %arg4[%swap3A, %swap3A_141, %swap3A_142], %swap3A_145 {strides = array<i32>} : memref<1x2048x2048xf32, #tpu.memory_space<vmem>>, vector<1x256x2048xf32>,
    } else {
    }
    %get3A_34 = arith.constant 0 : index
    %get3A_35 = arith.constant 512 : index
    %get3A_36 = arith.constant 0 : index
    %get3A_37 = vector.load %arg2[%get3A_34, %get3A_35, %get3A_36] : memref<1x2048x1024xbf16, #tpu.memory_space<vmem>>, vector<1x256x1024xbf16>
    %get3A_38 = vector.shape_cast %get3A_37 : vector<1x256x1024xbf16> to vector<256x1024xbf16>
    %dot_general3A_39 = arith.constant dense<0.000000e+00> : vector<256x2048xf32>
    %dot_general3A_40 = tpu.matmul %get3A_38, %convert_element_type3A, %dot_general3A_39 {dimension_numbers = #tpu.dot_dimension_numbers<[1], [1], [0], [0], [0, 0, 1, 0], [], []>, transpose_lhs_hint = false} : vector<256x1024xbf16>, vector<2048x1024xbf16>, vector<256x2048xf32> -> vector<256x2048xf32>
    %eq3A_41 = arith.constant 0 : i32
    %eq3A_42 = arith.cmpi eq, %arg1, %eq3A_41 : i32
    %convert_element_type3A_43 = arith.extui %eq3A_42 : i1 to i32
    %cond3A_44 = arith.constant 0 : i32
    %cond3A_45 = arith.cmpi ne, %convert_element_type3A_43, %cond3A_44 : i32
    scf.if %cond3A_45 {
      %swap3A = arith.constant 0 : index
      %swap3A_136 = arith.constant 512 : index
      %swap3A_137 = arith.constant 0 : index
      %swap3A_138 = vector.load %arg4[%swap3A, %swap3A_136, %swap3A_137] : memref<1x2048x2048xf32, #tpu.memory_space<vmem>>, vector<1x256x2048xf32>
      %swap3A_139 = vector.shape_cast %swap3A_138 : vector<1x256x2048xf32> to vector<256x2048xf32>
      %swap3A_140 = vector.shape_cast %dot_general3A_40 : vector<256x2048xf32> to vector<1x256x2048xf32>
      tpu.vector_store %arg4[%swap3A, %swap3A_136, %swap3A_137], %swap3A_140 {strides = array<i32>} : memref<1x2048x2048xf32, #tpu.memory_space<vmem>>, vector<1x256x2048xf32>,
    } else {
    }
    %gt3A_46 = arith.constant 0 : i32
    %gt3A_47 = arith.cmpi sgt, %arg1, %gt3A_46 : i32
    %convert_element_type3A_48 = arith.extui %gt3A_47 : i1 to i32
    %cond3A_49 = arith.constant 0 : i32
    %cond3A_50 = arith.cmpi ne, %convert_element_type3A_48, %cond3A_49 : i32
    scf.if %cond3A_50 {
      %get3A_136 = arith.constant 0 : index
      %get3A_137 = arith.constant 512 : index
      %get3A_138 = arith.constant 0 : index
      %get3A_139 = vector.load %arg4[%get3A_136, %get3A_137, %get3A_138] : memref<1x2048x2048xf32, #tpu.memory_space<vmem>>, vector<1x256x2048xf32>
      %get3A_140 = vector.shape_cast %get3A_139 : vector<1x256x2048xf32> to vector<256x2048xf32>
      %add3A = arith.addf %get3A_140, %dot_general3A_40 : vector<256x2048xf32>
      %swap3A = arith.constant 0 : index
      %swap3A_141 = arith.constant 512 : index
      %swap3A_142 = arith.constant 0 : index
      %swap3A_143 = vector.load %arg4[%swap3A, %swap3A_141, %swap3A_142] : memref<1x2048x2048xf32, #tpu.memory_space<vmem>>, vector<1x256x2048xf32>
      %swap3A_144 = vector.shape_cast %swap3A_143 : vector<1x256x2048xf32> to vector<256x2048xf32>
      %swap3A_145 = vector.shape_cast %add3A : vector<256x2048xf32> to vector<1x256x2048xf32>
      tpu.vector_store %arg4[%swap3A, %swap3A_141, %swap3A_142], %swap3A_145 {strides = array<i32>} : memref<1x2048x2048xf32, #tpu.memory_space<vmem>>, vector<1x256x2048xf32>,
    } else {
    }
    %get3A_51 = arith.constant 0 : index
    %get3A_52 = arith.constant 768 : index
    %get3A_53 = arith.constant 0 : index
    %get3A_54 = vector.load %arg2[%get3A_51, %get3A_52, %get3A_53] : memref<1x2048x1024xbf16, #tpu.memory_space<vmem>>, vector<1x256x1024xbf16>
    %get3A_55 = vector.shape_cast %get3A_54 : vector<1x256x1024xbf16> to vector<256x1024xbf16>
    %dot_general3A_56 = arith.constant dense<0.000000e+00> : vector<256x2048xf32>
    %dot_general3A_57 = tpu.matmul %get3A_55, %convert_element_type3A, %dot_general3A_56 {dimension_numbers = #tpu.dot_dimension_numbers<[1], [1], [0], [0], [0, 0, 1, 0], [], []>, transpose_lhs_hint = false} : vector<256x1024xbf16>, vector<2048x1024xbf16>, vector<256x2048xf32> -> vector<256x2048xf32>
    %eq3A_58 = arith.constant 0 : i32
    %eq3A_59 = arith.cmpi eq, %arg1, %eq3A_58 : i32
    %convert_element_type3A_60 = arith.extui %eq3A_59 : i1 to i32
    %cond3A_61 = arith.constant 0 : i32
    %cond3A_62 = arith.cmpi ne, %convert_element_type3A_60, %cond3A_61 : i32
    scf.if %cond3A_62 {
      %swap3A = arith.constant 0 : index
      %swap3A_136 = arith.constant 768 : index
      %swap3A_137 = arith.constant 0 : index
      %swap3A_138 = vector.load %arg4[%swap3A, %swap3A_136, %swap3A_137] : memref<1x2048x2048xf32, #tpu.memory_space<vmem>>, vector<1x256x2048xf32>
      %swap3A_139 = vector.shape_cast %swap3A_138 : vector<1x256x2048xf32> to vector<256x2048xf32>
      %swap3A_140 = vector.shape_cast %dot_general3A_57 : vector<256x2048xf32> to vector<1x256x2048xf32>
      tpu.vector_store %arg4[%swap3A, %swap3A_136, %swap3A_137], %swap3A_140 {strides = array<i32>} : memref<1x2048x2048xf32, #tpu.memory_space<vmem>>, vector<1x256x2048xf32>,
    } else {
    }
    %gt3A_63 = arith.constant 0 : i32
    %gt3A_64 = arith.cmpi sgt, %arg1, %gt3A_63 : i32
    %convert_element_type3A_65 = arith.extui %gt3A_64 : i1 to i32
    %cond3A_66 = arith.constant 0 : i32
    %cond3A_67 = arith.cmpi ne, %convert_element_type3A_65, %cond3A_66 : i32
    scf.if %cond3A_67 {
      %get3A_136 = arith.constant 0 : index
      %get3A_137 = arith.constant 768 : index
      %get3A_138 = arith.constant 0 : index
      %get3A_139 = vector.load %arg4[%get3A_136, %get3A_137, %get3A_138] : memref<1x2048x2048xf32, #tpu.memory_space<vmem>>, vector<1x256x2048xf32>
      %get3A_140 = vector.shape_cast %get3A_139 : vector<1x256x2048xf32> to vector<256x2048xf32>
      %add3A = arith.addf %get3A_140, %dot_general3A_57 : vector<256x2048xf32>
      %swap3A = arith.constant 0 : index
      %swap3A_141 = arith.constant 768 : index
      %swap3A_142 = arith.constant 0 : index
      %swap3A_143 = vector.load %arg4[%swap3A, %swap3A_141, %swap3A_142] : memref<1x2048x2048xf32, #tpu.memory_space<vmem>>, vector<1x256x2048xf32>
      %swap3A_144 = vector.shape_cast %swap3A_143 : vector<1x256x2048xf32> to vector<256x2048xf32>
      %swap3A_145 = vector.shape_cast %add3A : vector<256x2048xf32> to vector<1x256x2048xf32>
      tpu.vector_store %arg4[%swap3A, %swap3A_141, %swap3A_142], %swap3A_145 {strides = array<i32>} : memref<1x2048x2048xf32, #tpu.memory_space<vmem>>, vector<1x256x2048xf32>,
    } else {
    }
    %get3A_68 = arith.constant 0 : index
    %get3A_69 = arith.constant 1024 : index
    %get3A_70 = arith.constant 0 : index
    %get3A_71 = vector.load %arg2[%get3A_68, %get3A_69, %get3A_70] : memref<1x2048x1024xbf16, #tpu.memory_space<vmem>>, vector<1x256x1024xbf16>
    %get3A_72 = vector.shape_cast %get3A_71 : vector<1x256x1024xbf16> to vector<256x1024xbf16>
    %dot_general3A_73 = arith.constant dense<0.000000e+00> : vector<256x2048xf32>
    %dot_general3A_74 = tpu.matmul %get3A_72, %convert_element_type3A, %dot_general3A_73 {dimension_numbers = #tpu.dot_dimension_numbers<[1], [1], [0], [0], [0, 0, 1, 0], [], []>, transpose_lhs_hint = false} : vector<256x1024xbf16>, vector<2048x1024xbf16>, vector<256x2048xf32> -> vector<256x2048xf32>
    %eq3A_75 = arith.constant 0 : i32
    %eq3A_76 = arith.cmpi eq, %arg1, %eq3A_75 : i32
    %convert_element_type3A_77 = arith.extui %eq3A_76 : i1 to i32
    %cond3A_78 = arith.constant 0 : i32
    %cond3A_79 = arith.cmpi ne, %convert_element_type3A_77, %cond3A_78 : i32
    scf.if %cond3A_79 {
      %swap3A = arith.constant 0 : index
      %swap3A_136 = arith.constant 1024 : index
      %swap3A_137 = arith.constant 0 : index
      %swap3A_138 = vector.load %arg4[%swap3A, %swap3A_136, %swap3A_137] : memref<1x2048x2048xf32, #tpu.memory_space<vmem>>, vector<1x256x2048xf32>
      %swap3A_139 = vector.shape_cast %swap3A_138 : vector<1x256x2048xf32> to vector<256x2048xf32>
      %swap3A_140 = vector.shape_cast %dot_general3A_74 : vector<256x2048xf32> to vector<1x256x2048xf32>
      tpu.vector_store %arg4[%swap3A, %swap3A_136, %swap3A_137], %swap3A_140 {strides = array<i32>} : memref<1x2048x2048xf32, #tpu.memory_space<vmem>>, vector<1x256x2048xf32>,
    } else {
    }
    %gt3A_80 = arith.constant 0 : i32
    %gt3A_81 = arith.cmpi sgt, %arg1, %gt3A_80 : i32
    %convert_element_type3A_82 = arith.extui %gt3A_81 : i1 to i32
    %cond3A_83 = arith.constant 0 : i32
    %cond3A_84 = arith.cmpi ne, %convert_element_type3A_82, %cond3A_83 : i32
    scf.if %cond3A_84 {
      %get3A_136 = arith.constant 0 : index
      %get3A_137 = arith.constant 1024 : index
      %get3A_138 = arith.constant 0 : index
      %get3A_139 = vector.load %arg4[%get3A_136, %get3A_137, %get3A_138] : memref<1x2048x2048xf32, #tpu.memory_space<vmem>>, vector<1x256x2048xf32>
      %get3A_140 = vector.shape_cast %get3A_139 : vector<1x256x2048xf32> to vector<256x2048xf32>
      %add3A = arith.addf %get3A_140, %dot_general3A_74 : vector<256x2048xf32>
      %swap3A = arith.constant 0 : index
      %swap3A_141 = arith.constant 1024 : index
      %swap3A_142 = arith.constant 0 : index
      %swap3A_143 = vector.load %arg4[%swap3A, %swap3A_141, %swap3A_142] : memref<1x2048x2048xf32, #tpu.memory_space<vmem>>, vector<1x256x2048xf32>
      %swap3A_144 = vector.shape_cast %swap3A_143 : vector<1x256x2048xf32> to vector<256x2048xf32>
      %swap3A_145 = vector.shape_cast %add3A : vector<256x2048xf32> to vector<1x256x2048xf32>
      tpu.vector_store %arg4[%swap3A, %swap3A_141, %swap3A_142], %swap3A_145 {strides = array<i32>} : memref<1x2048x2048xf32, #tpu.memory_space<vmem>>, vector<1x256x2048xf32>,
    } else {
    }
    %get3A_85 = arith.constant 0 : index
    %get3A_86 = arith.constant 1280 : index
    %get3A_87 = arith.constant 0 : index
    %get3A_88 = vector.load %arg2[%get3A_85, %get3A_86, %get3A_87] : memref<1x2048x1024xbf16, #tpu.memory_space<vmem>>, vector<1x256x1024xbf16>
    %get3A_89 = vector.shape_cast %get3A_88 : vector<1x256x1024xbf16> to vector<256x1024xbf16>
    %dot_general3A_90 = arith.constant dense<0.000000e+00> : vector<256x2048xf32>
    %dot_general3A_91 = tpu.matmul %get3A_89, %convert_element_type3A, %dot_general3A_90 {dimension_numbers = #tpu.dot_dimension_numbers<[1], [1], [0], [0], [0, 0, 1, 0], [], []>, transpose_lhs_hint = false} : vector<256x1024xbf16>, vector<2048x1024xbf16>, vector<256x2048xf32> -> vector<256x2048xf32>
    %eq3A_92 = arith.constant 0 : i32
    %eq3A_93 = arith.cmpi eq, %arg1, %eq3A_92 : i32
    %convert_element_type3A_94 = arith.extui %eq3A_93 : i1 to i32
    %cond3A_95 = arith.constant 0 : i32
    %cond3A_96 = arith.cmpi ne, %convert_element_type3A_94, %cond3A_95 : i32
    scf.if %cond3A_96 {
      %swap3A = arith.constant 0 : index
      %swap3A_136 = arith.constant 1280 : index
      %swap3A_137 = arith.constant 0 : index
      %swap3A_138 = vector.load %arg4[%swap3A, %swap3A_136, %swap3A_137] : memref<1x2048x2048xf32, #tpu.memory_space<vmem>>, vector<1x256x2048xf32>
      %swap3A_139 = vector.shape_cast %swap3A_138 : vector<1x256x2048xf32> to vector<256x2048xf32>
      %swap3A_140 = vector.shape_cast %dot_general3A_91 : vector<256x2048xf32> to vector<1x256x2048xf32>
      tpu.vector_store %arg4[%swap3A, %swap3A_136, %swap3A_137], %swap3A_140 {strides = array<i32>} : memref<1x2048x2048xf32, #tpu.memory_space<vmem>>, vector<1x256x2048xf32>,
    } else {
    }
    %gt3A_97 = arith.constant 0 : i32
    %gt3A_98 = arith.cmpi sgt, %arg1, %gt3A_97 : i32
    %convert_element_type3A_99 = arith.extui %gt3A_98 : i1 to i32
    %cond3A_100 = arith.constant 0 : i32
    %cond3A_101 = arith.cmpi ne, %convert_element_type3A_99, %cond3A_100 : i32
    scf.if %cond3A_101 {
      %get3A_136 = arith.constant 0 : index
      %get3A_137 = arith.constant 1280 : index
      %get3A_138 = arith.constant 0 : index
      %get3A_139 = vector.load %arg4[%get3A_136, %get3A_137, %get3A_138] : memref<1x2048x2048xf32, #tpu.memory_space<vmem>>, vector<1x256x2048xf32>
      %get3A_140 = vector.shape_cast %get3A_139 : vector<1x256x2048xf32> to vector<256x2048xf32>
      %add3A = arith.addf %get3A_140, %dot_general3A_91 : vector<256x2048xf32>
      %swap3A = arith.constant 0 : index
      %swap3A_141 = arith.constant 1280 : index
      %swap3A_142 = arith.constant 0 : index
      %swap3A_143 = vector.load %arg4[%swap3A, %swap3A_141, %swap3A_142] : memref<1x2048x2048xf32, #tpu.memory_space<vmem>>, vector<1x256x2048xf32>
      %swap3A_144 = vector.shape_cast %swap3A_143 : vector<1x256x2048xf32> to vector<256x2048xf32>
      %swap3A_145 = vector.shape_cast %add3A : vector<256x2048xf32> to vector<1x256x2048xf32>
      tpu.vector_store %arg4[%swap3A, %swap3A_141, %swap3A_142], %swap3A_145 {strides = array<i32>} : memref<1x2048x2048xf32, #tpu.memory_space<vmem>>, vector<1x256x2048xf32>,
    } else {
    }
    %get3A_102 = arith.constant 0 : index
    %get3A_103 = arith.constant 1536 : index
    %get3A_104 = arith.constant 0 : index
    %get3A_105 = vector.load %arg2[%get3A_102, %get3A_103, %get3A_104] : memref<1x2048x1024xbf16, #tpu.memory_space<vmem>>, vector<1x256x1024xbf16>
    %get3A_106 = vector.shape_cast %get3A_105 : vector<1x256x1024xbf16> to vector<256x1024xbf16>
    %dot_general3A_107 = arith.constant dense<0.000000e+00> : vector<256x2048xf32>
    %dot_general3A_108 = tpu.matmul %get3A_106, %convert_element_type3A, %dot_general3A_107 {dimension_numbers = #tpu.dot_dimension_numbers<[1], [1], [0], [0], [0, 0, 1, 0], [], []>, transpose_lhs_hint = false} : vector<256x1024xbf16>, vector<2048x1024xbf16>, vector<256x2048xf32> -> vector<256x2048xf32>
    %eq3A_109 = arith.constant 0 : i32
    %eq3A_110 = arith.cmpi eq, %arg1, %eq3A_109 : i32
    %convert_element_type3A_111 = arith.extui %eq3A_110 : i1 to i32
    %cond3A_112 = arith.constant 0 : i32
    %cond3A_113 = arith.cmpi ne, %convert_element_type3A_111, %cond3A_112 : i32
    scf.if %cond3A_113 {
      %swap3A = arith.constant 0 : index
      %swap3A_136 = arith.constant 1536 : index
      %swap3A_137 = arith.constant 0 : index
      %swap3A_138 = vector.load %arg4[%swap3A, %swap3A_136, %swap3A_137] : memref<1x2048x2048xf32, #tpu.memory_space<vmem>>, vector<1x256x2048xf32>
      %swap3A_139 = vector.shape_cast %swap3A_138 : vector<1x256x2048xf32> to vector<256x2048xf32>
      %swap3A_140 = vector.shape_cast %dot_general3A_108 : vector<256x2048xf32> to vector<1x256x2048xf32>
      tpu.vector_store %arg4[%swap3A, %swap3A_136, %swap3A_137], %swap3A_140 {strides = array<i32>} : memref<1x2048x2048xf32, #tpu.memory_space<vmem>>, vector<1x256x2048xf32>,
    } else {
    }
    %gt3A_114 = arith.constant 0 : i32
    %gt3A_115 = arith.cmpi sgt, %arg1, %gt3A_114 : i32
    %convert_element_type3A_116 = arith.extui %gt3A_115 : i1 to i32
    %cond3A_117 = arith.constant 0 : i32
    %cond3A_118 = arith.cmpi ne, %convert_element_type3A_116, %cond3A_117 : i32
    scf.if %cond3A_118 {
      %get3A_136 = arith.constant 0 : index
      %get3A_137 = arith.constant 1536 : index
      %get3A_138 = arith.constant 0 : index
      %get3A_139 = vector.load %arg4[%get3A_136, %get3A_137, %get3A_138] : memref<1x2048x2048xf32, #tpu.memory_space<vmem>>, vector<1x256x2048xf32>
      %get3A_140 = vector.shape_cast %get3A_139 : vector<1x256x2048xf32> to vector<256x2048xf32>
      %add3A = arith.addf %get3A_140, %dot_general3A_108 : vector<256x2048xf32>
      %swap3A = arith.constant 0 : index
      %swap3A_141 = arith.constant 1536 : index
      %swap3A_142 = arith.constant 0 : index
      %swap3A_143 = vector.load %arg4[%swap3A, %swap3A_141, %swap3A_142] : memref<1x2048x2048xf32, #tpu.memory_space<vmem>>, vector<1x256x2048xf32>
      %swap3A_144 = vector.shape_cast %swap3A_143 : vector<1x256x2048xf32> to vector<256x2048xf32>
      %swap3A_145 = vector.shape_cast %add3A : vector<256x2048xf32> to vector<1x256x2048xf32>
      tpu.vector_store %arg4[%swap3A, %swap3A_141, %swap3A_142], %swap3A_145 {strides = array<i32>} : memref<1x2048x2048xf32, #tpu.memory_space<vmem>>, vector<1x256x2048xf32>,
    } else {
    }
    %get3A_119 = arith.constant 0 : index
    %get3A_120 = arith.constant 1792 : index
    %get3A_121 = arith.constant 0 : index
    %get3A_122 = vector.load %arg2[%get3A_119, %get3A_120, %get3A_121] : memref<1x2048x1024xbf16, #tpu.memory_space<vmem>>, vector<1x256x1024xbf16>
    %get3A_123 = vector.shape_cast %get3A_122 : vector<1x256x1024xbf16> to vector<256x1024xbf16>
    %dot_general3A_124 = arith.constant dense<0.000000e+00> : vector<256x2048xf32>
    %dot_general3A_125 = tpu.matmul %get3A_123, %convert_element_type3A, %dot_general3A_124 {dimension_numbers = #tpu.dot_dimension_numbers<[1], [1], [0], [0], [0, 0, 1, 0], [], []>, transpose_lhs_hint = false} : vector<256x1024xbf16>, vector<2048x1024xbf16>, vector<256x2048xf32> -> vector<256x2048xf32>
    %eq3A_126 = arith.constant 0 : i32
    %eq3A_127 = arith.cmpi eq, %arg1, %eq3A_126 : i32
    %convert_element_type3A_128 = arith.extui %eq3A_127 : i1 to i32
    %cond3A_129 = arith.constant 0 : i32
    %cond3A_130 = arith.cmpi ne, %convert_element_type3A_128, %cond3A_129 : i32
    scf.if %cond3A_130 {
      %swap3A = arith.constant 0 : index
      %swap3A_136 = arith.constant 1792 : index
      %swap3A_137 = arith.constant 0 : index
      %swap3A_138 = vector.load %arg4[%swap3A, %swap3A_136, %swap3A_137] : memref<1x2048x2048xf32, #tpu.memory_space<vmem>>, vector<1x256x2048xf32>
      %swap3A_139 = vector.shape_cast %swap3A_138 : vector<1x256x2048xf32> to vector<256x2048xf32>
      %swap3A_140 = vector.shape_cast %dot_general3A_125 : vector<256x2048xf32> to vector<1x256x2048xf32>
      tpu.vector_store %arg4[%swap3A, %swap3A_136, %swap3A_137], %swap3A_140 {strides = array<i32>} : memref<1x2048x2048xf32, #tpu.memory_space<vmem>>, vector<1x256x2048xf32>,
    } else {
    }
    %gt3A_131 = arith.constant 0 : i32
    %gt3A_132 = arith.cmpi sgt, %arg1, %gt3A_131 : i32
    %convert_element_type3A_133 = arith.extui %gt3A_132 : i1 to i32
    %cond3A_134 = arith.constant 0 : i32
    %cond3A_135 = arith.cmpi ne, %convert_element_type3A_133, %cond3A_134 : i32
    scf.if %cond3A_135 {
      %get3A_136 = arith.constant 0 : index
      %get3A_137 = arith.constant 1792 : index
      %get3A_138 = arith.constant 0 : index
      %get3A_139 = vector.load %arg4[%get3A_136, %get3A_137, %get3A_138] : memref<1x2048x2048xf32, #tpu.memory_space<vmem>>, vector<1x256x2048xf32>
      %get3A_140 = vector.shape_cast %get3A_139 : vector<1x256x2048xf32> to vector<256x2048xf32>
      %add3A = arith.addf %get3A_140, %dot_general3A_125 : vector<256x2048xf32>
      %swap3A = arith.constant 0 : index
      %swap3A_141 = arith.constant 1792 : index
      %swap3A_142 = arith.constant 0 : index
      %swap3A_143 = vector.load %arg4[%swap3A, %swap3A_141, %swap3A_142] : memref<1x2048x2048xf32, #tpu.memory_space<vmem>>, vector<1x256x2048xf32>
      %swap3A_144 = vector.shape_cast %swap3A_143 : vector<1x256x2048xf32> to vector<256x2048xf32>
      %swap3A_145 = vector.shape_cast %add3A : vector<256x2048xf32> to vector<1x256x2048xf32>
      tpu.vector_store %arg4[%swap3A, %swap3A_141, %swap3A_142], %swap3A_145 {strides = array<i32>} : memref<1x2048x2048xf32, #tpu.memory_space<vmem>>, vector<1x256x2048xf32>,
    } else {
    }
    return
  }
  func.func @transform_0(%arg0: i32, %arg1: i32) -> (i32, i32, i32) {
    %c0_i32 = arith.constant 0 : i32
    %c0_i32_0 = arith.constant 0 : i32
    return %arg0, %c0_i32, %arg1 : i32, i32, i32
  }
  func.func @transform_1(%arg0: i32, %arg1: i32) -> (i32, i32, i32) {
    %c0_i32 = arith.constant 0 : i32
    %c0_i32_0 = arith.constant 0 : i32
    return %arg0, %c0_i32, %arg1 : i32, i32, i32
  }
  func.func @transform_2(%arg0: i32, %arg1: i32) -> (i32, i32, i32) {
    %c0_i32 = arith.constant 0 : i32
    %c0_i32_0 = arith.constant 0 : i32
    %c0_i32_1 = arith.constant 0 : i32
    return %arg0, %c0_i32, %c0_i32_0 : i32, i32, i32
  }
}

</mosaic_0001>

<sc_bundles>
// kernel: kernel.5.cloned.1.call-start
scs
__scs_entry_jumppad:
0x0: {  	(pc) =	sbr.rel $0x88, $3  }
0x1: {  	(tag) =	ssettag $0x0;
	lr =	simm.s32 $0x1  }
0x2: {  	[smem:$0x3F9D] =	sst lr;
	_ =	strace $0xD0000000  }
0x3: {  	_ = 	snop  }
0x4: {  	_ = 	snop  }
0x5: {  	_ = 	snop  }
0x6: {  	_ = 	snop  }
0x7: {  	_ = 	snop  }
__scs_overlays_trampoline_lowered:
0x8: {  	[smem:$0x3FAC] =	sst s0  }
0x9: {  	[smem:$0x3FAD] =	sst s1  }
0xa: {  	[smem:$0x3FAE] =	sst s2  }
0xb: {  	[smem:$0x3FAF] =	sst s3  }
0xc: {  	[smem:$0x3FB0] =	sst s4  }
0xd: {  	[smem:$0x3FB1] =	sst s5  }
0xe: {  	[smem:$0x3FB2] =	sst s6  }
0xf: {  	[smem:$0x3FB3] =	sst s7  }
0x10: {  	[smem:$0x3FB4] =	sst s8  }
0x11: {  	[smem:$0x3FB5] =	sst s9;
	s0 =	simm.s32 @!p0 $0x0  }
0x12: {  	s1 =	sld [smem:$0x3F9B];
	s0 =	simm.s32 @p0 $0x1  }
0x13: {  	[smem:$0x3FB6] =	sst s0;
	s0 =	simm.s32 @!p1 $0x0  }
0x14: {  	s2 =	sld [smem:$0x3F9A];
	s0 =	simm.s32 @p1 $0x1  }
0x15: {  	[smem:$0x3FB7] =	sst s0;
	s0 =	simm.s32 @!p2 $0x0  }
0x16: {  	s3 =	sld [smem:$0x3FDB];
	s0 =	simm.s32 @p2 $0x1  }
0x17: {  	s4 =	simm.s32 $0x1BF5;
	[smem:$0x3FB9] =	sst s0  }
0x18: {  	s0 =	sld [smem:$0x3F9C];
	_ =	swait.ge [sflag:s4], $0x0  }
0x19: {  	s7 =	sld [smem:$0x3F9D]  }
0x1a: {  	s8 =	sadd.s32 $0xFFFFE003, lr  }
0x1b: {  	s9 =	sadd.s32 $0xFFFFFEF7, lr;
	s5 =	simm.s32 $0xFFFFFFFF;
	p2 =	slt.u32 s8, $0xFFFFF086  }
0x1c: {  	p1 =	slt.u32 s9, $0xF7A;
	s5 =	simm.s32 @!p2 $0x0  }
0x1d: {  	s5 =	simm.s32 @p1 $0x1;
	p0 =	seq.s32 s7, s2  }
0x1e: {  	s7 =	smul.u32 @!p0 $0xF7A, s2;
	p2 =	seq.s32 @!p0 s5, $0x0  }
0x1f: {  	s9 =	smul.u32 $0xF7A, s1;
	s8 =	simm.s32 @!p0 $0x1BF5;
	p2 =	por !p2, p0  }
0x20: {  	[sflag:s8] =	ssyncset.s32 @!p0 $0xFFFFF086;
	s6 =	sadd.s32 @!p0 s3, s7;
	s7 =	simm.s32 @!p0 $0x108  }
0x21: {  	s3 =	sadd.s32 s3, s9;
	s6 =	sadd.s32 @!p0 $0x88, s6;
	s7 =	simm.s32 @p2 $0x1082  }
0x22: {  	[simem:s7], [sflag:s8] =	dma.local @!p0 [hbm:s6], $0xF7A  }
0x23: {  	s9 =	sor.u32 $0xD0000000, s2;
	s6 =	simm.s32 $0x108;
	_ =	swait.ge @!p0 [sflag:s8], $0x0  }
0x24: {  	s3 =	sadd.s32 $0x88, s3;
	s6 =	simm.s32 @!p1 $0x1082;
	[sflag:s4] =	ssyncset.s32 $0xFFFFF086  }
0x25: {  	[simem:s6], [sflag:s4] =	dma.local [hbm:s3], $0xF7A  }
0x26: {  	[smem:$0x3F9D] =	sst s1;
	(tag) =	ssettag s2;
	_ =	strace s9  }
0x27: {  	s1 =	sld [smem:$0x3FAD]  }
0x28: {  	s2 =	sld [smem:$0x3FAE]  }
0x29: {  	s4 =	sld [smem:$0x3FB0]  }
0x2a: {  	p0 =	seq.s32 s5, $0x0;
	s5 =	sld [smem:$0x3FB1]  }
0x2b: {  	s6 =	sld [smem:$0x3FB2]  }
0x2c: {  	s7 =	sld [smem:$0x3FB3]  }
0x2d: {  	s3 =	simm.s32 $0x108;
	s8 =	sld [smem:$0x3FB4]  }
0x2e: {  	s3 =	simm.s32 @!p0 $0x1082;
	s9 =	sld [smem:$0x3FB5]  }
0x2f: {  	lr =	sadd.s32 s0, s3;
	s0 =	sld [smem:$0x3FAC]  }
0x30: {  	s3 =	sld [smem:$0x3FAF]  }
0x31: {  	[smem:$0x3FB8] =	sst s10  }
0x32: {  	s10 =	sld [smem:$0x3FB6];
	_ =	sdelay $0x3  }
0x33: {  	p0 =	seq.s32 s10, $0x1;
	s10 =	sld [smem:$0x3FB8];
	_ =	sdelay $0x3  }
0x34: {  	[smem:$0x3FB8] =	sst s10  }
0x35: {  	s10 =	sld [smem:$0x3FB7];
	_ =	sdelay $0x3  }
0x36: {  	p1 =	seq.s32 s10, $0x1;
	s10 =	sld [smem:$0x3FB8];
	_ =	sdelay $0x3  }
0x37: {  	[smem:$0x3FB8] =	sst s10  }
0x38: {  	s10 =	sld [smem:$0x3FB9]  }
0x39: {  	_ = 	snop;
	(pc) =	sbr.ind lr, $3  }
0x3a: {  	_ = 	snop  }
0x3b: {  	_ = 	snop  }
0x3c: {  	p2 =	seq.s32 s10, $0x1;
	s10 =	sld [smem:$0x3FB8]  }
0x3d: {  	_ =	shalt  }
0x3e: {  	_ =	shalt  }
0x3f: {  	_ =	shalt  }
0x40: {  	_ =	shalt  }
0x41: {  	_ =	shalt  }
0x42: {  	_ =	shalt  }
0x43: {  	_ =	shalt  }
0x44: {  	_ =	shalt  }
0x45: {  	_ =	shalt  }
0x46: {  	_ =	shalt  }
0x47: {  	_ =	shalt  }
0x48: {  	_ =	shalt  }
0x49: {  	_ =	shalt  }
0x4a: {  	_ =	shalt  }
0x4b: {  	_ =	shalt  }
0x4c: {  	_ =	shalt  }
0x4d: {  	_ =	shalt  }
0x4e: {  	_ =	shalt  }
0x4f: {  	_ =	shalt  }
0x50: {  	_ =	shalt  }
0x51: {  	_ =	shalt  }
0x52: {  	_ =	shalt  }
0x53: {  	_ =	shalt  }
0x54: {  	_ =	shalt  }
0x55: {  	_ =	shalt  }
0x56: {  	_ =	shalt  }
0x57: {  	_ =	shalt  }
0x58: {  	_ =	shalt  }
0x59: {  	_ =	shalt  }
0x5a: {  	_ =	shalt  }
0x5b: {  	_ =	shalt  }
0x5c: {  	_ =	shalt  }
0x5d: {  	_ =	shalt  }
0x5e: {  	_ =	shalt  }
0x5f: {  	_ =	shalt  }
0x60: {  	_ =	shalt  }
0x61: {  	_ =	shalt  }
0x62: {  	_ =	shalt  }
0x63: {  	_ =	shalt  }
0x64: {  	_ =	shalt  }
0x65: {  	_ =	shalt  }
0x66: {  	_ =	shalt  }
0x67: {  	_ =	shalt  }
0x68: {  	_ =	shalt  }
0x69: {  	_ =	shalt  }
0x6a: {  	_ =	shalt  }
0x6b: {  	_ =	shalt  }
0x6c: {  	_ =	shalt  }
0x6d: {  	_ =	shalt  }
0x6e: {  	_ =	shalt  }
0x6f: {  	_ =	shalt  }
0x70: {  	_ =	shalt  }
0x71: {  	_ =	shalt  }
0x72: {  	_ =	shalt  }
0x73: {  	_ =	shalt  }
0x74: {  	_ =	shalt  }
0x75: {  	_ =	shalt  }
0x76: {  	_ =	shalt  }
0x77: {  	_ =	shalt  }
0x78: {  	_ =	shalt  }
0x79: {  	_ =	shalt  }
0x7a: {  	_ =	shalt  }
0x7b: {  	_ =	shalt  }
0x7c: {  	_ =	shalt  }
0x7d: {  	_ =	shalt  }
0x7e: {  	_ =	shalt  }
0x7f: {  	_ =	shalt  }
0x80: {  	_ =	shalt  }
0x81: {  	_ =	shalt  }
0x82: {  	_ =	shalt  }
0x83: {  	_ =	shalt  }
0x84: {  	_ =	shalt  }
0x85: {  	_ =	shalt  }
0x86: {  	_ =	shalt  }
0x87: {  	_ =	shalt  }
.Lfunc_end0:
.L_simem_size_0:
called_computation_lowered:
.L_overlay_start_0:
0x88: {  	s2 =	sld [smem:$0x3FD9]  }
0x89: {  	s3 =	sld [smem:$0x3FFE];
	_ =	sdelay $0x1  }
0x8a: {  	s1 =	srdreg.scid  }
0x8b: {  	s0 =	sand.u32 $0x1, s1  }
0x8c: {  	s14 =	sshll.u32 s0, $0xA;
	s2 =	sadd.s32 s3, s2  }
0x8d: {  	s2 =	sadd.s32 s2, s14  }
0x8e: {  	[smem:$0x3FC4] =	sst s2  }
0x8f: {  	_ = 	snop  }
0x90: {  	s2 =	sld [smem:$0x3FD0];
	_ =	sdelay $0x2  }
0x91: {  	s4 =	simm.s32 $0xA;
	s5 =	simm.s32 $0x10;
	s15 =	sld [smem:$0x3FC9]  }
0x92: {  	[smem:s5], [sflag:s4] =	dma.local [hbm:s2], $0x1  }
0x93: {  	_ =	swait.eq [sflag:s4], $0x1  }
0x94: {  	s16 =	sld [smem:$0x10];
	[sflag:s4] =	ssyncset.done $0x0  }
0x95: {  	s17 =	sld [smem:$0x12];
	[sflag:s4] =	ssyncadd.s32 $0xFFFFFFFF  }
0x96: {  	s18 =	sld [smem:$0x13];
	(tm) =	ssettm $0x1  }
0x97: {  	s6 =	sld [smem:$0x3FFB];
	_ =	sdelay $0x3  }
0x98: {  	_ =	strace s6  }
0x99: {  	s6 =	sld [smem:$0x3FFC];
	_ =	sdelay $0x3  }
0x9a: {  	_ =	strace s6  }
0x9b: {  	s6 =	sld [smem:$0x3FFD];
	_ =	sdelay $0x3  }
0x9c: {  	_ =	strace s6  }
0x9d: {  	_ =	strace $0x8FFFFFFF  }
0x9e: {  	s19 =	sld [smem:$0x3FDB];
	_ =	sdelay $0x1  }
0x9f: {  	s7 =	simm.s32 $_scs_section_size  }
0xa0: {  	s8 =	simm.s32 $_size__tile_overlayer_lowered;
	s9 =	simm.s32 $_tile_overlayer_lowered  }
0xa1: {  	s22 =	simm.s32 $0x1BFF;
	s21 =	sshll.u32 s9, $0x1;
	s6 =	sadd.s32 s7, s19  }
0xa2: {  	s10 =	simm.s32 $0x0;
	s20 =	sshll.u32 s8, $0x1;
	s8 =	sadd.s32 s21, s6  }
0xa3: {  	[timem:s10], [sflag:s22] =	dma.local [hbm:s8], s20  }
0xa4: {  	_ =	swait.ge [sflag:s22], s20  }
0xa5: {  	s7 =	ssub.s32 $0x0, s20;
	[sflag:s22] =	ssyncset.done $0x0  }
0xa6: {  	[sflag:s22] =	ssyncadd.s32 s7;
	_ =	sdelay $0x1  }
0xa7: {  	s23 =	simm.s32 $0x1B8B  }
0xa8: {  	_ =	swait.ge [sflag:s23], $0x1  }
0xa9: {  	[sflag:s23] =	ssyncset.done $0x0  }
0xaa: {  	s25 =	simm.s32 $0x1B8E;
	s24 =	sld [smem:$0x3FFE];
	[sflag:s23] =	ssyncadd.s32 $0xFFFFFFFF  }
0xab: {  	s26 =	simm.s32 $execute0_lowered;
	[smem:$0x3FD2] =	sst s25  }
0xac: {  	s8 =	sshll.u32 s26, $0x1;
	_ =	strace $0x80000046;
	[dreg:$0x1] =	wrdreg $0xFFFFFFFF  }
0xad: {  	s28 =	simm.s32 $_size_execute0_lowered;
	s6 =	sadd.s32 s6, s8;
	[dreg:$0x0] =	wrdreg $0x0  }
0xae: {  	s8 =	sshll.u32 s28, $0x1;
	[dreg:$0x2] =	wrdreg s6  }
0xaf: {  	[dreg:$0x3] =	wrdreg s8  }
0xb0: {  	[dreg:$0x4] =	wrdreg $0xC0  }
0xb1: {  	_ =	task [dreg:s10], $0x5FFFF  }
0xb2: {  	[dreg:$0x1] =	wrdreg $0xFFFFFFFF  }
0xb3: {  	[dreg:$0x0] =	wrdreg $0x60  }
0xb4: {  	[dreg:$0x2] =	wrdreg s15  }
0xb5: {  	[dreg:$0x3] =	wrdreg s24  }
0xb6: {  	[dreg:$0x4] =	wrdreg s18  }
0xb7: {  	[dreg:$0x5] =	wrdreg s16  }
0xb8: {  	[dreg:$0x6] =	wrdreg s17  }
0xb9: {  	[dreg:$0x7] =	wrdreg $0x126800  }
0xba: {  	[dreg:$0x8] =	wrdreg $0x9  }
0xbb: {  	_ =	task.clear_ibuf [dreg:s10], $0x9FFFF;
	_ =	strace $0x90000046  }
0xbc: {  	s29 =	simm.s32 $0x9;
	_ =	strace $0x80000048  }
0xbd: {  	_ =	swait.ge [sflag:s29], $0x1  }
0xbe: {  	[sflag:s29] =	ssyncadd.s32 $0xFFFFFFFF  }
0xbf: {  	_ =	strace $0x90000048  }
0xc0: {  	_ =	sfence  }
0xc1: {  	s30 =	sld [smem:$0x0];
	_ =	sdelay $0x2  }
0xc2: {  	s31 =	sshll.u32 s1, $0xD;
	s1 =	sshrl.u32 s1, $0x2  }
0xc3: {  	s3 =	sand.u32 $0x4000, s31;
	s1 =	sadd.s32 s1, s30  }
0xc4: {  	s0 =	sor.u32 s3, s0;
	s1 =	sshll.u32 s1, $0x11  }
0xc5: {  	s0 =	sor.u32 s1, s0  }
0xc6: {  	s0 =	sadd.s32 $0x8F2B, s0  }
0xc7: {  	[sflag:s0] =	ssyncadd.remote.s32 $0x1  }
0xc8: {  	_ =	sfence.sel $0xFFFF  }
0xc9: {  	[dreg:$0x0] =	wrdreg $0xFFFFFFFF;
	(pc) =	sbr.abs _section_cstart, $3  }
0xca: {  	[dreg:$0x1] =	wrdreg $0xFFFFFFFF  }
0xcb: {  	_ =	task.clear_ibuf [dreg:s10], $0x2FFFF;
	_ =	strace $0x9FFFFFFF  }
0xcc: {  	(tm) =	ssettm $0x7FFFFFFF  }
0xcd: {  	_ =	shalt  }
tec
execute0_lowered:
.L_overlay_start_1:
0x0: {  	(tag) =	ssettag $0x1  }
0x1: {  	s0 =	rddreg [dreg:$0x0]  }
0x2: {  	s3 =	rddreg [dreg:$0x1]  }
0x3: {  	s2 =	rddreg [dreg:$0x3]  }
0x4: {  	s1 =	srdreg.scid;
	s8 =	rddreg [dreg:$0x4]  }
0x5: {  	s21 =	stileid.u32;
	s15 =	rddreg [dreg:$0x5]  }
0x6: {  	s6 =	simm.s32 $0x1;
	s16 =	simm.s32 $0x1400;
	s17 =	simm.s32 $0x1C00  }
0x7: {  	s19 =	simm.s32 $0x2400;
	s22 =	simm.s32 $0x2C00;
	s23 =	simm.s32 $0x3400  }
0x8: {  	s24 =	simm.s32 $0x3C00;
	s29 =	simm.s32 $0x10400;
	s31 =	simm.s32 $0x8400  }
0x9: {  	s30 =	simm.s32 $0xCC00;
	s1 =	sand.u32 $0x1, s1;
	s5 =	sand.u32 $0x3, s21  }
0xa: {  	s25 =	sshll.u32 s21, $0x7;
	s14 =	sadd.s32 $0x3000, s3;
	s18 =	sshll.u32 s21, $0x9  }
0xb: {  	s4 =	sshll.u32 s1, $0x4;
	p1 =	sne.s32 s5, $0x0;
	s5 =	simm.s32 $0x0  }
0xc: {  	s13 =	sand.u32 $0x380, s25;
	s26 =	ssub.s32 $0x2, s1;
	[smem:$0x7FF] =	sst s5  }
0xd: {  	s1 =	sshll.u32 s1, $0x15;
	_ =	strace $0x80000047;
	[dreg:$0x1b] =	wrdreg s14  }
0xe: {  	s7 =	sor.u32 s21, s4;
	s4 =	sadd.s32 s4, s3;
	[dreg:$0x8] =	wrdreg s16  }
0xf: {  	s28 =	sshrl.u32 s26, $0x1;
	s1 =	sadd.s32 s1, s2;
	[dreg:$0x9] =	wrdreg s17  }
0x10: {  	s2 =	simm.s32 $0xC400;
	p0 =	seq.s32 s7, $0x0;
	[dreg:$0xa] =	wrdreg s19  }
0x11: {  	s9 =	sshrl.u32 s7, $0x2;
	s10 =	sshll.u32 s7, $0x6;
	[dreg:$0xb] =	wrdreg s22  }
0x12: {  	s7 =	sshll.u32 s7, $0x9;
	s20 =	ssub.s32 s26, s28;
	[dreg:$0xc] =	wrdreg s23  }
0x13: {  	s14 =	simm.s32 $0xC00;
	s4 =	sadd.s32 s25, s4;
	[dreg:$0xd] =	wrdreg s24  }
0x14: {  	s25 =	simm.s32 $0x4400;
	s16 =	sadd.s32 $0x400, s0;
	[dreg:$0x7] =	wrdreg s14  }
0x15: {  	s26 =	simm.s32 $0x4C00;
	s17 =	sadd.s32 $0x500, s0;
	[dreg:$0xe] =	wrdreg s25  }
0x16: {  	s28 =	simm.s32 $0x5400;
	s19 =	sadd.s32 $0x700, s0;
	[dreg:$0xf] =	wrdreg s26  }
0x17: {  	s22 =	simm.s32 $0x8C00;
	s23 =	simm.s32 $0x9400;
	[dreg:$0x10] =	wrdreg s28  }
0x18: {  	s24 =	simm.s32 $0x9C00;
	p0 =	por !p1, !p0;
	[dreg:$0x16] =	wrdreg s22  }
0x19: {  	s12 =	sadd.s32 s10, s3;
	s7 =	sand.u32 $0x3000, s7;
	[dreg:$0x17] =	wrdreg s23  }
0x1a: {  	s4 =	sadd.s32 $0x3200, s4;
	s14 =	sadd.s32 $0x200, s0;
	[dreg:$0x18] =	wrdreg s24  }
0x1b: {  	s25 =	simm.s32 $0xA400;
	s23 =	simm.s32 $0x400;
	s26 =	simm.s32 $0xAC00  }
0x1c: {  	p0 =	por !p0, !p0;
	s7 =	sor.u32 s13, s7;
	s13 =	sadd.s32 s8, s10  }
0x1d: {  	[smem:$0x7FA] =	sst s4;
	s4 =	sadd.s32 s18, s15;
	s15 =	sadd.s32 $0x300, s0  }
0x1e: {  	s18 =	sadd.s32 $0x600, s0;
	s8 =	simm.s32 $0x6400;
	[dreg:$0x19] =	wrdreg s25  }
0x1f: {  	s10 =	simm.s32 $0x6C00;
	[dreg:$0x1a] =	wrdreg s26;
	s26 =	simm.s32 $0x4  }
0x20: {  	s6 =	simm.s32 @!p0 $0x0;
	s7 =	sshrl.u32 s7, $0x3;
	[dreg:$0x1f] =	wrdreg s13  }
0x21: {  	s13 =	sadd.s32 $0x100, s0;
	[dreg:$0x12] =	wrdreg s8;
	s6 =	ssub.s32 s9, s6  }
0x22: {  	[dreg:$0x13] =	wrdreg s10;
	s9 =	sshll.u32 s6, $0xD;
	s6 =	sshll.u32 s6, $0x7  }
0x23: {  	p0 =	sne.s32 s21, $0x0;
	s9 =	sand.u32 $0xFFFF0000, s9;
	s11 =	sand.u32 $0x380, s6  }
0x24: {  	s28 =	sshrl.u32 s4, $0x3;
	s8 =	simm.s32 $0xDC00;
	s9 =	sor.u32 s11, s9  }
0x25: {  	[smem:$0x7FD] =	sst s28;
	s11 =	simm.s32 $0x7400;
	s9 =	sshrl.u32 s9, $0x3  }
0x26: {  	[dreg:$0x14] =	wrdreg s11;
	s9 =	sadd.s32 s9, s3;
	s3 =	sadd.s32 s3, s7  }
0x27: {  	s10 =	simm.s32 $0xEC00;
	s7 =	sadd.s32 $0x800, s12;
	[dreg:$0x1c] =	wrdreg s3  }
0x28: {  	s6 =	simm.s32 $0x1;
	[dreg:$0x1d] =	wrdreg s7;
	s12 =	sadd.s32 $0x1000, s9  }
0x29: {  	s11 =	simm.s32 $0xF400;
	s7 =	simm.s32 $0x5C00;
	[dreg:$0x1e] =	wrdreg s12  }
0x2a: {  	s9 =	smax.u32 s20, $0x1;
	s20 =	sshll.u32 s21, $0x11;
	[dreg:$0x11] =	wrdreg s7  }
0x2b: {  	s21 =	simm.s32 $0x3;
	s3 =	simm.s32 $0x0;
	[smem:$0x7FB] =	sst s9  }
0x2c: {  	v2 =	vlaneseq.u32;
	s12 =	simm.s32 $0x7C00;
	s1 =	sadd.s32 s20, s1;
	s7 =	simm.s32 $0xD400  }
0x2d: {  	vm0 =	vmmov $0xffff;
	v1 =	vshrl.u32 v2, $0x3;
	s9 =	simm.s32 $0xE400;
	s20 =	simm.s32 $0x2;
	[dreg:$0x15] =	wrdreg s12  }
0x2e: {  	v0 =	vand.u32 $0x7, v2;
	v2 =	vor.u32 $0x8, v2;
	v1 =	vmul.u32 $0x8, v1;
	[smem:$0x7FC] =	sst s1;
	s1 =	simm.s32 $0xBC00;
	s12 =	simm.s32 $0xFC00  }
.LBB2_1:
0x2f: {  	[smem:$0x7F9] =	sst s3  }
0x30: {  	s4 =	rddreg [dreg:$0x1c];
	s25 =	simm.s32 $0x80;
	s3 =	simm.s32 $0x5  }
0x31: {  	[tilespmem:s5], [sflag:$0x5] =	stream.strided.gather [hbm4b:s4+s25], $0x200, s23, s25, $0x38;
	[tilespmem:$0x12880] =	vst v63  }
0x32: {  	_ =	swait.ge [sflag:s3], $0x200  }
0x33: {  	[sflag:s3] =	ssyncset.done $0x0  }
0x34: {  	s22 =	simm.s32 $0x200;
	s24 =	rddreg [dreg:$0x1d];
	[sflag:s3] =	ssyncadd.s32 $0xFFFFFE00  }
0x35: {  	[tilespmem:s22], [sflag:$0x5] =	stream.linear.gather [hbm4b:s24+s5], $0x200, $0x38;
	[tilespmem:$0x12880] =	vst v63  }
0x36: {  	_ =	swait.ge [sflag:s3], $0x200  }
0x37: {  	[sflag:s3] =	ssyncset.done $0x0  }
0x38: {  	s24 =	simm.s32 $0x12600;
	s22 =	rddreg [dreg:$0x1b];
	[sflag:s3] =	ssyncadd.s32 $0xFFFFFE00  }
0x39: {  	[tilespmem:s24], [sflag:$0x5] =	stream.linear.gather [hbm4b:s22+s5], $0x80, $0x38;
	[tilespmem:$0x12880] =	vst v63  }
0x3a: {  	_ =	swait.ge [sflag:s3], $0x80  }
0x3b: {  	[sflag:s3] =	ssyncset.done $0x0  }
0x3c: {  	s24 =	rddreg [dreg:$0x1e];
	[sflag:s3] =	ssyncadd.s32 $0xFFFFFF80  }
0x3d: {  	[tilespmem:s29], [sflag:$0x5] =	stream.strided.gather [hbm4b:s24+s25], $0x2000, s23, s25, $0x38;
	[tilespmem:$0x12880] =	vst v63  }
0x3e: {  	_ =	swait.ge [sflag:s3], $0x2000  }
0x3f: {  	[sflag:s3] =	ssyncset.done $0x0  }
0x40: {  	[sflag:s3] =	ssyncadd.s32 $0xFFFFE000  }
0x41: {  	v3 =	vld [tilespmem:$0x0];
	_ =	sdelay $0x5  }
0x42: {  	v4 =	vld [tilespmem:$0x10];
	_ =	sdelay $0x1  }
0x43: {  	v3 =	vld.idx.msk [tilespmem:v3+s29+$0x0], $0xffff;
	_ =	sdelay $0x3  }
0x44: {  	v5 =	vld [tilespmem:$0x20]  }
0x45: {  	[tilespmem:$0x12400] =	vst v3  }
0x46: {  	v3 =	vld.idx.msk [tilespmem:v4+s29+$0x0], $0xffff;
	_ =	sdelay $0x3  }
0x47: {  	v35 =	vld [tilespmem:$0x30]  }
0x48: {  	[tilespmem:$0x12410] =	vst v3  }
0x49: {  	v3 =	vld.idx.msk [tilespmem:v5+s29+$0x0], $0xffff;
	_ =	sdelay $0x3  }
0x4a: {  	v36 =	vld [tilespmem:$0x40]  }
0x4b: {  	[tilespmem:$0x12420] =	vst v3  }
0x4c: {  	v3 =	vld.idx.msk [tilespmem:v35+s29+$0x0], $0xffff;
	_ =	sdelay $0x3  }
0x4d: {  	v37 =	vld [tilespmem:$0x50]  }
0x4e: {  	[tilespmem:$0x12430] =	vst v3  }
0x4f: {  	v3 =	vld.idx.msk [tilespmem:v36+s29+$0x0], $0xffff;
	_ =	sdelay $0x3  }
0x50: {  	v38 =	vld [tilespmem:$0x60]  }
0x51: {  	[tilespmem:$0x12440] =	vst v3  }
0x52: {  	v3 =	vld.idx.msk [tilespmem:v37+s29+$0x0], $0xffff;
	_ =	sdelay $0x3  }
0x53: {  	v39 =	vld [tilespmem:$0x70]  }
0x54: {  	[tilespmem:$0x12450] =	vst v3  }
0x55: {  	v3 =	vld.idx.msk [tilespmem:v38+s29+$0x0], $0xffff;
	_ =	sdelay $0x3  }
0x56: {  	v40 =	vld [tilespmem:$0x80]  }
0x57: {  	[tilespmem:$0x12460] =	vst v3  }
0x58: {  	v3 =	vld.idx.msk [tilespmem:v39+s29+$0x0], $0xffff;
	_ =	sdelay $0x3  }
0x59: {  	v41 =	vld [tilespmem:$0x90]  }
0x5a: {  	[tilespmem:$0x12470] =	vst v3  }
0x5b: {  	v3 =	vld.idx.msk [tilespmem:v40+s29+$0x0], $0xffff;
	_ =	sdelay $0x3  }
0x5c: {  	v42 =	vld [tilespmem:$0xA0]  }
0x5d: {  	[tilespmem:$0x12480] =	vst v3  }
0x5e: {  	v3 =	vld.idx.msk [tilespmem:v41+s29+$0x0], $0xffff;
	_ =	sdelay $0x3  }
0x5f: {  	v43 =	vld [tilespmem:$0xB0]  }
0x60: {  	[tilespmem:$0x12490] =	vst v3  }
0x61: {  	v3 =	vld.idx.msk [tilespmem:v42+s29+$0x0], $0xffff;
	_ =	sdelay $0x3  }
0x62: {  	v44 =	vld [tilespmem:$0xC0]  }
0x63: {  	[tilespmem:$0x124A0] =	vst v3  }
0x64: {  	v3 =	vld.idx.msk [tilespmem:v43+s29+$0x0], $0xffff;
	_ =	sdelay $0x3  }
0x65: {  	v45 =	vld [tilespmem:$0xD0]  }
0x66: {  	[tilespmem:$0x124B0] =	vst v3  }
0x67: {  	v3 =	vld.idx.msk [tilespmem:v44+s29+$0x0], $0xffff;
	_ =	sdelay $0x3  }
0x68: {  	v46 =	vld [tilespmem:$0xE0]  }
0x69: {  	[tilespmem:$0x124C0] =	vst v3  }
0x6a: {  	v3 =	vld.idx.msk [tilespmem:v45+s29+$0x0], $0xffff;
	_ =	sdelay $0x3  }
0x6b: {  	v47 =	vld [tilespmem:$0xF0]  }
0x6c: {  	[tilespmem:$0x124D0] =	vst v3  }
0x6d: {  	v3 =	vld.idx.msk [tilespmem:v46+s29+$0x0], $0xffff;
	_ =	sdelay $0x3  }
0x6e: {  	v48 =	vld [tilespmem:$0x100]  }
0x6f: {  	[tilespmem:$0x124E0] =	vst v3  }
0x70: {  	v3 =	vld.idx.msk [tilespmem:v47+s29+$0x0], $0xffff;
	_ =	sdelay $0x3  }
0x71: {  	v49 =	vld [tilespmem:$0x110]  }
0x72: {  	[tilespmem:$0x124F0] =	vst v3  }
0x73: {  	v3 =	vld.idx.msk [tilespmem:v48+s29+$0x0], $0xffff;
	_ =	sdelay $0x3  }
0x74: {  	v50 =	vld [tilespmem:$0x120]  }
0x75: {  	[tilespmem:$0x12500] =	vst v3  }
0x76: {  	v3 =	vld.idx.msk [tilespmem:v49+s29+$0x0], $0xffff;
	_ =	sdelay $0x3  }
0x77: {  	v51 =	vld [tilespmem:$0x130]  }
0x78: {  	[tilespmem:$0x12510] =	vst v3  }
0x79: {  	v3 =	vld.idx.msk [tilespmem:v50+s29+$0x0], $0xffff;
	_ =	sdelay $0x3  }
0x7a: {  	v52 =	vld [tilespmem:$0x140]  }
0x7b: {  	[tilespmem:$0x12520] =	vst v3  }
0x7c: {  	v3 =	vld.idx.msk [tilespmem:v51+s29+$0x0], $0xffff;
	_ =	sdelay $0x3  }
0x7d: {  	v53 =	vld [tilespmem:$0x150]  }
0x7e: {  	[tilespmem:$0x12530] =	vst v3  }
0x7f: {  	v3 =	vld.idx.msk [tilespmem:v52+s29+$0x0], $0xffff;
	_ =	sdelay $0x3  }
0x80: {  	v54 =	vld [tilespmem:$0x160]  }
0x81: {  	[tilespmem:$0x12540] =	vst v3  }
0x82: {  	v3 =	vld.idx.msk [tilespmem:v53+s29+$0x0], $0xffff;
	_ =	sdelay $0x3  }
0x83: {  	v55 =	vld [tilespmem:$0x170]  }
0x84: {  	[tilespmem:$0x12550] =	vst v3  }
0x85: {  	v3 =	vld.idx.msk [tilespmem:v54+s29+$0x0], $0xffff;
	_ =	sdelay $0x3  }
0x86: {  	v56 =	vld [tilespmem:$0x180]  }
0x87: {  	[tilespmem:$0x12560] =	vst v3  }
0x88: {  	v3 =	vld.idx.msk [tilespmem:v55+s29+$0x0], $0xffff;
	_ =	sdelay $0x3  }
0x89: {  	v57 =	vld [tilespmem:$0x190]  }
0x8a: {  	[tilespmem:$0x12570] =	vst v3  }
0x8b: {  	v3 =	vld.idx.msk [tilespmem:v56+s29+$0x0], $0xffff;
	_ =	sdelay $0x3  }
0x8c: {  	v58 =	vld [tilespmem:$0x1A0]  }
0x8d: {  	[tilespmem:$0x12580] =	vst v3  }
0x8e: {  	v3 =	vld.idx.msk [tilespmem:v57+s29+$0x0], $0xffff;
	_ =	sdelay $0x3  }
0x8f: {  	v59 =	vld [tilespmem:$0x1B0]  }
0x90: {  	[tilespmem:$0x12590] =	vst v3  }
0x91: {  	v3 =	vld.idx.msk [tilespmem:v58+s29+$0x0], $0xffff;
	_ =	sdelay $0x3  }
0x92: {  	v60 =	vld [tilespmem:$0x1C0]  }
0x93: {  	[tilespmem:$0x125A0] =	vst v3  }
0x94: {  	v3 =	vld.idx.msk [tilespmem:v59+s29+$0x0], $0xffff;
	_ =	sdelay $0x3  }
0x95: {  	v61 =	vld [tilespmem:$0x1D0]  }
0x96: {  	[tilespmem:$0x125B0] =	vst v3  }
0x97: {  	v3 =	vld.idx.msk [tilespmem:v60+s29+$0x0], $0xffff;
	_ =	sdelay $0x3  }
0x98: {  	v62 =	vld [tilespmem:$0x1E0]  }
0x99: {  	[tilespmem:$0x125C0] =	vst v3  }
0x9a: {  	v3 =	vld.idx.msk [tilespmem:v61+s29+$0x0], $0xffff;
	_ =	sdelay $0x3  }
0x9b: {  	v63 =	vld [tilespmem:$0x1F0]  }
0x9c: {  	[tilespmem:$0x125D0] =	vst v3  }
0x9d: {  	v3 =	vld.idx.msk [tilespmem:v62+s29+$0x0], $0xffff;
	_ =	sdelay $0x4  }
0x9e: {  	[tilespmem:$0x125E0] =	vst v3  }
0x9f: {  	v3 =	vld.idx.msk [tilespmem:v63+s29+$0x0], $0xffff;
	_ =	sdelay $0x4  }
0xa0: {  	s24 =	simm.s32 $0x12400;
	s22 =	rddreg [dreg:$0x1f];
	[tilespmem:$0x125F0] =	vst v3  }
0xa1: {  	[hbm4b:s22+s5] =	stream.linear.scatter [tilespmem:s24], [sflag:$0x5], $0x200, $0x38;
	[tilespmem:$0x12880] =	vst v63  }
0xa2: {  	_ =	swait.ge [sflag:s3], $0x200  }
0xa3: {  	[sflag:s3] =	ssyncset.done $0x0  }
0xa4: {  	[sflag:s3] =	ssyncadd.s32 $0xFFFFFE00  }
0xa5: {  	s24 =	rddreg [dreg:$0x5]  }
0xa6: {  	s28 =	simm.s32 @!p0 $0x1C05;
	s22 =	rddreg [dreg:$0x2];
	s4 =	sshrl.u32 @!p0 s24, $0x3  }
0xa7: {  	[spmem:s4], [sflag:s28] =	dma.local @!p0 [hbm:s22], $0x400  }
0xa8: {  	s4 =	simm.s32 @!p0 $0x5  }
0xa9: {  	_ =	swait.ge @!p0 [sflag:s4], $0x400  }
0xaa: {  	[sflag:s4] =	ssyncset.done @!p0 $0x0  }
0xab: {  	[sflag:s4] =	ssyncadd.s32 @!p0 $0xFFFFFC00  }
0xac: {  	s22 =	simm.s32 $0x12600;
	s4 =	simm.s32 $0x200;
	[bflag:$0x0] =	sbarrier.arrive $0xFFFF  }
0xad: {  	[spmem:s24] =	stream.indirect.scatter.add.f32 [tilespmem:s22], [sflag:$0x5], $0x1, s4, s25, $0xb8;
	[tilespmem:$0x12880] =	vst v63  }
0xae: {  	_ =	swait.ge [sflag:s3], $0x80  }
0xaf: {  	[sflag:s3] =	ssyncset.done $0x0  }
0xb0: {  	s4 =	simm.s32 $0x280;
	[sflag:s3] =	ssyncadd.s32 $0xFFFFFF80  }
0xb1: {  	[spmem:s24] =	stream.indirect.scatter.add.f32 [tilespmem:s22], [sflag:$0x5], $0x1, s4, s25, $0xb8;
	[tilespmem:$0x12880] =	vst v63  }
0xb2: {  	_ =	swait.ge [sflag:s3], $0x80  }
0xb3: {  	[sflag:s3] =	ssyncset.done $0x0  }
0xb4: {  	s4 =	simm.s32 $0x300;
	[sflag:s3] =	ssyncadd.s32 $0xFFFFFF80  }
0xb5: {  	[spmem:s24] =	stream.indirect.scatter.add.f32 [tilespmem:s22], [sflag:$0x5], $0x1, s4, s25, $0xb8;
	[tilespmem:$0x12880] =	vst v63  }
0xb6: {  	_ =	swait.ge [sflag:s3], $0x80  }
0xb7: {  	[sflag:s3] =	ssyncset.done $0x0  }
0xb8: {  	s22 =	simm.s32 $0x12600;
	s4 =	simm.s32 $0x380;
	[sflag:s3] =	ssyncadd.s32 $0xFFFFFF80  }
0xb9: {  	[spmem:s24] =	stream.indirect.scatter.add.f32 [tilespmem:s22], [sflag:$0x5], $0x1, s4, s25, $0xb8;
	[tilespmem:$0x12880] =	vst v63  }
0xba: {  	_ =	swait.ge [sflag:s3], $0x80  }
0xbb: {  	[sflag:s3] =	ssyncset.done $0x0  }
0xbc: {  	[sflag:s3] =	ssyncadd.s32 $0xFFFFFF80  }
0xbd: {  	[bflag:$0x0] =	sbarrier.arrive $0xFFFF  }
0xbe: {  	s22 =	sld [smem:$0x7FA]  }
0xbf: {  	s25 =	stileid.u32;
	s24 =	sld [smem:$0x7FD]  }
0xc0: {  	s4 =	sshll.u32 s25, $0x6  }
0xc1: {  	s28 =	simm.s32 $0x10;
	s25 =	simm.s32 $0x20;
	s4 =	sor.u32 $0x1C05, s4  }
0xc2: {  	[hbm:s22@s25], [sflag:s4] =	dma.strided [spmem:s24@s28], $0x40, s6, $0x10   }
0xc3: {  	_ =	swait.ge [sflag:s3], $0x40  }
0xc4: {  	s28 =	simm.s32 $0x0;
	[sflag:s3] =	ssyncset.done $0x0  }
0xc5: {  	s4 =	sld [smem:$0x7FC];
	[sflag:s3] =	ssyncadd.s32 $0xFFFFFFC0;
	s3 =	simm.s32 $0xB400  }
.LBB2_2:
0xc6: {  	s22 =	sshra.s32 s28, $0x2  }
0xc7: {  	v3 =	vld [tilespmem:s22+$0x0];
	_ =	sdelay $0x4  }
0xc8: {  	v4 =	vshll.u32 v3, $0x4  }
0xc9: {  	v3 =	vand.u32 $0x7, v3;
	v4 =	vand.u32 $0xFFFFFF80, v4  }
0xca: {  	v3 =	vor.u32 v3, v4  }
0xcb: {  	v4 =	vperm.xlane v3, v0;
	_ =	sdelay $0x1  }
0xcc: {  	v4 =	vadd.s32 v1, v4;
	_ =	sdelay $0x4  }
0xcd: {  	[tilespmem:s23], [sflag:$0x1] =	stream.indirect_vreg.gather [hbm4b:s0+s5], $0x80, v4, vm0, $0xb8;
	[tilespmem:$0x12880] =	vst v63  }
0xce: {  	s25 =	rddreg [dreg:$0x7]  }
0xcf: {  	[tilespmem:s25], [sflag:$0x1] =	stream.indirect_vreg.gather [hbm4b:s13+s5], $0x80, v4, vm0, $0xb8;
	[tilespmem:$0x12880] =	vst v63  }
0xd0: {  	s24 =	rddreg [dreg:$0x8]  }
0xd1: {  	[tilespmem:s24], [sflag:$0x1] =	stream.indirect_vreg.gather [hbm4b:s14+s5], $0x80, v4, vm0, $0xb8;
	[tilespmem:$0x12880] =	vst v63  }
0xd2: {  	s25 =	rddreg [dreg:$0x9]  }
0xd3: {  	[tilespmem:s25], [sflag:$0x1] =	stream.indirect_vreg.gather [hbm4b:s15+s5], $0x80, v4, vm0, $0xb8;
	[tilespmem:$0x12880] =	vst v63  }
0xd4: {  	s24 =	rddreg [dreg:$0xa]  }
0xd5: {  	[tilespmem:s24], [sflag:$0x1] =	stream.indirect_vreg.gather [hbm4b:s16+s5], $0x80, v4, vm0, $0xb8;
	[tilespmem:$0x12880] =	vst v63  }
0xd6: {  	v3 =	vperm.xlane v3, v2;
	s25 =	rddreg [dreg:$0xb]  }
0xd7: {  	[tilespmem:s25], [sflag:$0x1] =	stream.indirect_vreg.gather [hbm4b:s17+s5], $0x80, v4, vm0, $0xb8;
	[tilespmem:$0x12880] =	vst v63  }
0xd8: {  	v3 =	vadd.s32 v1, v3;
	s24 =	rddreg [dreg:$0xc]  }
0xd9: {  	[tilespmem:s24], [sflag:$0x1] =	stream.indirect_vreg.gather [hbm4b:s18+s5], $0x80, v4, vm0, $0xb8;
	[tilespmem:$0x12880] =	vst v63  }
0xda: {  	s25 =	rddreg [dreg:$0xd]  }
0xdb: {  	[tilespmem:s25], [sflag:$0x1] =	stream.indirect_vreg.gather [hbm4b:s19+s5], $0x80, v4, vm0, $0xb8;
	[tilespmem:$0x12880] =	vst v63  }
0xdc: {  	s24 =	rddreg [dreg:$0xe]  }
0xdd: {  	[tilespmem:s24], [sflag:$0x1] =	stream.indirect_vreg.gather [hbm4b:s0+s5], $0x80, v3, vm0, $0xb8;
	[tilespmem:$0x12880] =	vst v63  }
0xde: {  	s25 =	rddreg [dreg:$0xf]  }
0xdf: {  	[tilespmem:s25], [sflag:$0x1] =	stream.indirect_vreg.gather [hbm4b:s13+s5], $0x80, v3, vm0, $0xb8;
	[tilespmem:$0x12880] =	vst v63  }
0xe0: {  	s24 =	rddreg [dreg:$0x10]  }
0xe1: {  	[tilespmem:s24], [sflag:$0x1] =	stream.indirect_vreg.gather [hbm4b:s14+s5], $0x80, v3, vm0, $0xb8;
	[tilespmem:$0x12880] =	vst v63  }
0xe2: {  	s25 =	rddreg [dreg:$0x11]  }
0xe3: {  	[tilespmem:s25], [sflag:$0x1] =	stream.indirect_vreg.gather [hbm4b:s15+s5], $0x80, v3, vm0, $0xb8;
	[tilespmem:$0x12880] =	vst v63  }
0xe4: {  	s24 =	rddreg [dreg:$0x12]  }
0xe5: {  	[tilespmem:s24], [sflag:$0x1] =	stream.indirect_vreg.gather [hbm4b:s16+s5], $0x80, v3, vm0, $0xb8;
	[tilespmem:$0x12880] =	vst v63  }
0xe6: {  	s25 =	rddreg [dreg:$0x13]  }
0xe7: {  	[tilespmem:s25], [sflag:$0x1] =	stream.indirect_vreg.gather [hbm4b:s17+s5], $0x80, v3, vm0, $0xb8;
	[tilespmem:$0x12880] =	vst v63  }
0xe8: {  	s24 =	rddreg [dreg:$0x14]  }
0xe9: {  	[tilespmem:s24], [sflag:$0x1] =	stream.indirect_vreg.gather [hbm4b:s18+s5], $0x80, v3, vm0, $0xb8;
	[tilespmem:$0x12880] =	vst v63  }
0xea: {  	s25 =	rddreg [dreg:$0x15]  }
0xeb: {  	[tilespmem:s25], [sflag:$0x1] =	stream.indirect_vreg.gather [hbm4b:s19+s5], $0x80, v3, vm0, $0xb8;
	[tilespmem:$0x12880] =	vst v63  }
0xec: {  	v3 =	vld [tilespmem:s22+$0x10];
	_ =	sdelay $0x4  }
0xed: {  	v63 =	vshll.u32 v3, $0x4  }
0xee: {  	v3 =	vand.u32 $0x7, v3;
	v4 =	vand.u32 $0xFFFFFF80, v63  }
0xef: {  	v3 =	vor.u32 v3, v4  }
0xf0: {  	v4 =	vperm.xlane v3, v0;
	_ =	sdelay $0x1  }
0xf1: {  	v4 =	vadd.s32 v1, v4;
	_ =	sdelay $0x4  }
0xf2: {  	[tilespmem:s31], [sflag:$0x2] =	stream.indirect_vreg.gather [hbm4b:s0+s5], $0x80, v4, vm0, $0xb8;
	[tilespmem:$0x12880] =	vst v63  }
0xf3: {  	s25 =	rddreg [dreg:$0x16]  }
0xf4: {  	[tilespmem:s25], [sflag:$0x2] =	stream.indirect_vreg.gather [hbm4b:s13+s5], $0x80, v4, vm0, $0xb8;
	[tilespmem:$0x12880] =	vst v63  }
0xf5: {  	s24 =	rddreg [dreg:$0x17]  }
0xf6: {  	[tilespmem:s24], [sflag:$0x2] =	stream.indirect_vreg.gather [hbm4b:s14+s5], $0x80, v4, vm0, $0xb8;
	[tilespmem:$0x12880] =	vst v63  }
0xf7: {  	s25 =	rddreg [dreg:$0x18]  }
0xf8: {  	[tilespmem:s25], [sflag:$0x2] =	stream.indirect_vreg.gather [hbm4b:s15+s5], $0x80, v4, vm0, $0xb8;
	[tilespmem:$0x12880] =	vst v63  }
0xf9: {  	s24 =	rddreg [dreg:$0x19]  }
0xfa: {  	[tilespmem:s24], [sflag:$0x2] =	stream.indirect_vreg.gather [hbm4b:s16+s5], $0x80, v4, vm0, $0xb8;
	[tilespmem:$0x12880] =	vst v63  }
0xfb: {  	v3 =	vperm.xlane v3, v2;
	s25 =	rddreg [dreg:$0x1a]  }
0xfc: {  	[tilespmem:s25], [sflag:$0x2] =	stream.indirect_vreg.gather [hbm4b:s17+s5], $0x80, v4, vm0, $0xb8;
	[tilespmem:$0x12880] =	vst v63  }
0xfd: {  	v3 =	vadd.s32 v1, v3  }
0xfe: {  	[tilespmem:s3], [sflag:$0x2] =	stream.indirect_vreg.gather [hbm4b:s18+s5], $0x80, v4, vm0, $0xb8;
	[tilespmem:$0x12880] =	vst v63  }
0xff: {  	_ = 	snop  }
0x100: {  	[tilespmem:s1], [sflag:$0x2] =	stream.indirect_vreg.gather [hbm4b:s19+s5], $0x80, v4, vm0, $0xb8;
	[tilespmem:$0x12880] =	vst v63  }
0x101: {  	_ = 	snop  }
0x102: {  	[tilespmem:s2], [sflag:$0x2] =	stream.indirect_vreg.gather [hbm4b:s0+s5], $0x80, v3, vm0, $0xb8;
	[tilespmem:$0x12880] =	vst v63  }
0x103: {  	_ = 	snop  }
0x104: {  	[tilespmem:s30], [sflag:$0x2] =	stream.indirect_vreg.gather [hbm4b:s13+s5], $0x80, v3, vm0, $0xb8;
	[tilespmem:$0x12880] =	vst v63  }
0x105: {  	_ = 	snop  }
0x106: {  	[tilespmem:s7], [sflag:$0x2] =	stream.indirect_vreg.gather [hbm4b:s14+s5], $0x80, v3, vm0, $0xb8;
	[tilespmem:$0x12880] =	vst v63  }
0x107: {  	_ = 	snop  }
0x108: {  	[tilespmem:s8], [sflag:$0x2] =	stream.indirect_vreg.gather [hbm4b:s15+s5], $0x80, v3, vm0, $0xb8;
	[tilespmem:$0x12880] =	vst v63  }
0x109: {  	_ = 	snop  }
0x10a: {  	[tilespmem:s9], [sflag:$0x2] =	stream.indirect_vreg.gather [hbm4b:s16+s5], $0x80, v3, vm0, $0xb8;
	[tilespmem:$0x12880] =	vst v63  }
0x10b: {  	_ = 	snop  }
0x10c: {  	[tilespmem:s10], [sflag:$0x2] =	stream.indirect_vreg.gather [hbm4b:s17+s5], $0x80, v3, vm0, $0xb8;
	[tilespmem:$0x12880] =	vst v63  }
0x10d: {  	_ = 	snop  }
0x10e: {  	[tilespmem:s11], [sflag:$0x2] =	stream.indirect_vreg.gather [hbm4b:s18+s5], $0x80, v3, vm0, $0xb8;
	[tilespmem:$0x12880] =	vst v63  }
0x10f: {  	_ = 	snop  }
0x110: {  	[tilespmem:s12], [sflag:$0x2] =	stream.indirect_vreg.gather [hbm4b:s19+s5], $0x80, v3, vm0, $0xb8;
	[tilespmem:$0x12880] =	vst v63  }
0x111: {  	_ =	swait.ge [sflag:s6], $0x8000  }
0x112: {  	[sflag:s6] =	ssyncset.done $0x0  }
0x113: {  	[sflag:s6] =	ssyncadd.s32 $0xFFFF8000  }
0x114: {  	[hbm4b:s4+s5] =	stream.linear.scatter [tilespmem:s23], [sflag:$0x3], $0x8000, $0x38;
	[tilespmem:$0x12880] =	vst v63  }
0x115: {  	_ =	swait.ge [sflag:s20], $0x8000  }
0x116: {  	[sflag:s20] =	ssyncset.done $0x0  }
0x117: {  	s25 =	sadd.s32 $0x1000, s4;
	[sflag:s20] =	ssyncadd.s32 $0xFFFF8000  }
0x118: {  	[hbm4b:s25+s5] =	stream.linear.scatter [tilespmem:s31], [sflag:$0x4], $0x8000, $0x38;
	[tilespmem:$0x12880] =	vst v63  }
0x119: {  	p1 =	sne.s32 s28, $0x780;
	_ =	swait.ge [sflag:s21], $0x8000  }
.Ltmp0:
0x11a: {  	[sflag:s21] =	ssyncset.done $0x0;
	(pc) =	sbr.rel @p1 .LBB2_2-.Ltmp0, $4  }
0x11b: {  	[sflag:s21] =	ssyncadd.s32 $0xFFFF8000  }
0x11c: {  	_ =	swait.ge [sflag:s26], $0x8000  }
0x11d: {  	[sflag:s26] =	ssyncset.done $0x0  }
0x11e: {  	s28 =	sadd.s32 $0x80, s28;
	s4 =	sadd.s32 $0x2000, s4;
	[sflag:s26] =	ssyncadd.s32 $0xFFFF8000  }
0x11f: {  	s3 =	sld [smem:$0x7F9]  }
0x120: {  	s4 =	sld [smem:$0x7FB];
	_ =	sdelay $0x1  }
0x121: {  	s3 =	sadd.s32 $0x1, s3  }
0x122: {  	p1 =	sne.s32 s3, s4  }
.Ltmp1:
0x123: {  	_ = 	snop;
	(pc) =	sbr.rel @p1 .LBB2_1-.Ltmp1, $1  }
0x124: {  	_ =	sdelay $0x3  }
0x125: {  	_ =	sfence.sel $0x180000  }
0x126: {  	[bflag:$0x0] =	sbarrier.arrive $0xFFFF  }
0x127: {  	_ =	strace $0x90000047  }
0x128: {  	[bflag:$0x2] =	sbarrier.arrive $0xFFFF  }
0x129: {  	s0 =	rddreg [dreg:$0x6]  }
0x12a: {  	s0 =	sadd.s32 @!p0 $0x100000, s0  }
0x12b: {  	[sflag:s0] =	ssyncadd.tile.s32 @!p0 $0x1;
	_ =	shalt  }
.Lfunc_end2:
_tile_overlayer_lowered:
.L_overlay_start_2:
0x12c: {  	(tag) =	ssettag $0x2  }
0x12d: {  	s0 =	rddreg [dreg:$0x0];
	s2 =	stileid.u32  }
0x12e: {  	s1 =	rddreg [dreg:$0x1];
	p0 =	sne.s32 s2, $0x0  }
0x12f: {  	s3 =	rddreg [dreg:$0x2];
	[bflag:$0x3] =	sbarrier.arrive $0xFFFF;
	s2 =	simm.s32 @!p0 $0x1C05  }
0x130: {  	[timem:s3], [sflag:s2] =	dma.local @!p0 [hbm:s0], s1  }
0x131: {  	s0 =	simm.s32 @!p0 $0x5  }
0x132: {  	_ =	swait.ge @!p0 [sflag:s0], s1  }
0x133: {  	s1 =	ssub.s32 @!p0 $0x0, s1;
	[sflag:s0] =	ssyncset.done @!p0 $0x0  }
0x134: {  	[sflag:s0] =	ssyncadd.s32 @!p0 s1  }
0x135: {  	[bflag:$0x3] =	sbarrier.arrive $0xFFFF  }
0x136: {  	_ =	shalt  }

</sc_bundles>
